<compile_context>
chip_gen: v7x
topology: tpu7x:2x2x1
jax: 0.10.2.dev20260603
libtpu: 0.0.44.dev20260713+nightly
codegen_flags: <defaults>
</compile_context>

<pallas_src>
import functools

import jax
import jax.numpy as jnp
from jax import lax
from jax.experimental import pallas as pl
from jax.experimental.pallas import tpu as pltpu
from jax.experimental.pallas import tpu_sc as plsc

NC = 2
NS = 16
NW = NC * NS
CH = 128
BLK = 8


def _ln_relu_body(x_ref, g_ref, b_ref, o_ref):
    xb = x_ref[...]
    mean = jnp.mean(xb, axis=-1, keepdims=True)
    var = jnp.mean((xb - mean) ** 2, axis=-1, keepdims=True)
    h = (xb - mean) * lax.rsqrt(var + 1e-5) * g_ref[...] + b_ref[...]
    o_ref[...] = jnp.maximum(h, 0.0)


def _ln_relu(x, gamma, beta, blk):
    n, d = x.shape
    return pl.pallas_call(
        _ln_relu_body,
        grid=(n // blk,),
        in_specs=[
            pl.BlockSpec((blk, d), lambda i: (i, 0)),
            pl.BlockSpec((1, d), lambda i: (0, 0)),
            pl.BlockSpec((1, d), lambda i: (0, 0)),
        ],
        out_specs=pl.BlockSpec((blk, d), lambda i: (i, 0)),
        out_shape=jax.ShapeDtypeStruct((n, d), jnp.float32),
    )(x, gamma.reshape(1, d), beta.reshape(1, d))


def _make_sc_agg(n, d, ntab, n_chunks):
    mesh = plsc.VectorSubcoreMesh(
        core_axis_name="c", subcore_axis_name="s", num_cores=NC, num_subcores=NS
    )
    zstripe = ntab // NS

    @functools.partial(
        pl.kernel,
        out_type=(
            jax.ShapeDtypeStruct((NC, ntab, d), jnp.float32),
            jax.ShapeDtypeStruct((NC, ntab, d), jnp.float32),
        ),
        mesh=mesh,
        scratch_types=[
            pltpu.VMEM_SHARED((ntab, d), jnp.float32),
            pltpu.VMEM((BLK, CH), jnp.int32),
            pltpu.VMEM((BLK, CH), jnp.int32),
            pltpu.VMEM((CH, d), jnp.float32),
            pltpu.VMEM((CH, d), jnp.float32),
            pltpu.SemaphoreType.DMA,
            pltpu.SemaphoreType.DMA,
        ],
    )
    def sc_agg(h_hbm, src_hbm, dst_hbm,
               agg_out, deg_out, tab_sh, sib, dib,
               rows0, rows1, sm0, sm1):
        c = lax.axis_index("c")
        s = lax.axis_index("s")
        wid = c * NS + s
        z0 = s * zstripe
        ngrp = n_chunks // BLK

        lane = lax.iota(jnp.int32, 16)
        zv = jnp.where(lane < 0, jnp.float32(1.0), jnp.float32(0.0))
        ov = jnp.where(lane >= 0, jnp.float32(1.0), jnp.float32(0.0))

        def fill_rows(rref, val):
            def body(i, carry):
                for j in range(d // 16):
                    rref[i, pl.ds(j * 16, 16)] = val
                return carry
            lax.fori_loop(0, CH, body, 0)

        def zero_table():
            for t in range(zstripe // CH):
                pltpu.sync_copy(rows0, tab_sh.at[pl.ds(z0 + t * CH, CH)])

        def copy_table(out3):
            pltpu.sync_copy(tab_sh.at[pl.ds(z0, zstripe)],
                            out3.at[c, pl.ds(z0, zstripe)])

        def load_blk(iref, arr2, g):
            r0 = pl.multiple_of((wid * n_chunks + g * BLK), BLK)
            pltpu.sync_copy(arr2.at[pl.ds(r0, BLK)], iref)

        fill_rows(rows0, zv)
        fill_rows(rows1, zv)
        zero_table()
        plsc.subcore_barrier()

        rbufs = (rows0, rows1)
        sms = (sm0, sm1)

        def group_a(g, carry):
            load_blk(sib, src_hbm, g)
            load_blk(dib, dst_hbm, g)
            pltpu.async_copy(h_hbm.at[sib.at[0]], rows0, sm0)
            for t in range(BLK):
                b = t % 2
                if t + 1 < BLK:
                    pltpu.async_copy(h_hbm.at[sib.at[t + 1]],
                                     rbufs[1 - b], sms[1 - b])
                pltpu.make_async_copy(h_hbm.at[sib.at[t]],
                                      rbufs[b], sms[b]).wait()
                pltpu.sync_copy(rbufs[b], tab_sh.at[dib.at[t]], add=True)
            return carry

        lax.fori_loop(0, ngrp, group_a, 0)
        plsc.subcore_barrier()
        copy_table(agg_out)
        plsc.subcore_barrier()

        fill_rows(rows0, zv)
        zero_table()
        plsc.subcore_barrier()
        fill_rows(rows0, ov)

        def group_b(g, carry):
            load_blk(dib, dst_hbm, g)
            for t in range(BLK):
                pltpu.sync_copy(rows0, tab_sh.at[dib.at[t]], add=True)
            return carry

        lax.fori_loop(0, ngrp, group_b, 0)
        plsc.subcore_barrier()
        copy_table(deg_out)

    return sc_agg


def _final_body(x_ref, h_ref, a0_ref, a1_ref, d0_ref, d1_ref,
                wl_ref, wr_ref, bl_ref, o_ref):
    agg = a0_ref[...] + a1_ref[...]
    deg = jnp.maximum(d0_ref[...] + d1_ref[...], 1.0)
    am = agg / deg
    acc = jnp.dot(am, wl_ref[...], preferred_element_type=jnp.float32)
    acc += jnp.dot(h_ref[...], wr_ref[...], preferred_element_type=jnp.float32)
    o_ref[...] = acc + bl_ref[...] + x_ref[...]


def _final(x, h, agg_parts, deg_parts, w_l_t, w_r_t, b_l, blk):
    n, d = x.shape
    row = lambda i: (i, 0)
    full = lambda i: (0, 0)
    return pl.pallas_call(
        _final_body,
        grid=(n // blk,),
        in_specs=[
            pl.BlockSpec((blk, d), row),
            pl.BlockSpec((blk, d), row),
            pl.BlockSpec((blk, d), row),
            pl.BlockSpec((blk, d), row),
            pl.BlockSpec((blk, d), row),
            pl.BlockSpec((blk, d), row),
            pl.BlockSpec((d, d), full),
            pl.BlockSpec((d, d), full),
            pl.BlockSpec((1, d), full),
        ],
        out_specs=pl.BlockSpec((blk, d), row),
        out_shape=jax.ShapeDtypeStruct((n, d), jnp.float32),
    )(x, h, agg_parts[0], agg_parts[1], deg_parts[0], deg_parts[1],
      w_l_t, w_r_t, b_l.reshape(1, d))


def kernel(x, edge_index, ln_gamma, ln_beta, W_l, b_l, W_r):
    n, d = x.shape
    e = edge_index.shape[1]

    n_chunks = -(-(-(-e // (NW * CH))) // BLK) * BLK
    e_pad = n_chunks * NW * CH
    src = edge_index[0].astype(jnp.int32)
    dst = edge_index[1].astype(jnp.int32)
    pad = e_pad - e
    if pad:
        src = jnp.concatenate([src, jnp.zeros((pad,), jnp.int32)])
        dst = jnp.concatenate([dst, jnp.full((pad,), n, jnp.int32)])
    src = src.reshape(e_pad // CH, CH)
    dst = dst.reshape(e_pad // CH, CH)

    ntab = -(-(n + 1) // (NS * CH)) * NS * CH

    h = _ln_relu(x, ln_gamma, ln_beta, blk=1000)
    agg_parts, deg_parts = _make_sc_agg(n, d, ntab, n_chunks)(
        h, src, dst)
    return _final(x, h, agg_parts, deg_parts,
                  W_l.T, W_r.T, b_l, blk=1000)

# --- scband reference (transcript-rebuilt; emitter-appended) ---
"""Pipeline reference for scband-modern-gnnblock-81793357185797 (READ-ONLY COPY).

The authoritative reference and input builder live on the scoring server;
editing this copy changes nothing except your own understanding.
"""

import jax, jax.numpy as jnp
import numpy as np

N = 10000
E = 320000
D = 128


def setup_inputs(seed: int = 0) -> dict:
    key = jax.random.key(seed)
    k_x, k_ei, k_wl, k_wr = jax.random.split(key, 4)
    x = jax.random.normal(k_x, (N, D), dtype=jnp.float32)
    edge_index = jax.random.randint(k_ei, (2, E), 0, N, dtype=jnp.int64)
    # LayerNorm params
    ln_gamma = jnp.ones((D,), dtype=jnp.float32)
    ln_beta = jnp.zeros((D,), dtype=jnp.float32)
    # SAGEConv params: lin_l (aggregated neighbors, with bias), lin_r (root, no bias)
    W_l = jax.random.normal(k_wl, (D, D), dtype=jnp.float32) * 0.05
    b_l = jnp.zeros((D,), dtype=jnp.float32)
    W_r = jax.random.normal(k_wr, (D, D), dtype=jnp.float32) * 0.05
    return {"x": x, "edge_index": edge_index, "ln_gamma": ln_gamma,
            "ln_beta": ln_beta, "W_l": W_l, "b_l": b_l, "W_r": W_r}


def reference(x, edge_index, ln_gamma, ln_beta, W_l, b_l, W_r):
    identity = x
    # Pre-Norm (LayerNorm over last dim, eps=1e-5)
    mean = jnp.mean(x, axis=-1, keepdims=True)
    var = jnp.mean((x - mean) ** 2, axis=-1, keepdims=True)
    h = (x - mean) / jnp.sqrt(var + 1e-5) * ln_gamma + ln_beta
    # Activation
    h = jax.nn.relu(h)
    # SAGEConv with mean aggregation: out = lin_l(mean_j x_j) + lin_r(x_i)
    src = edge_index[0]
    dst = edge_index[1]
    msgs = jnp.take(h, src, axis=0)                       # gather (SparseCore)
    agg = jax.ops.segment_sum(msgs, dst, num_segments=N)   # scatter-add
    deg = jax.ops.segment_sum(jnp.ones((E,), dtype=h.dtype), dst, num_segments=N)
    deg = jnp.clip(deg, 1.0, None)
    agg_mean = agg / deg[:, None]
    out = agg_mean @ W_l.T + b_l + h @ W_r.T
    # Dropout is identity in eval mode; residual add
    return out + identity

if __name__ == "__main__":
    import jax
    _d = setup_inputs()
    print(jax.jit(kernel)(*tuple(_d.values())))

</pallas_src>

<mosaic_0001>
#map = affine_map<(d0, d1) -> (0, 0)>
#map1 = affine_map<(d0, d1) -> (0, 0, 0)>
module attributes {stable_mosaic.version = 14 : i64} {
  func.func @sc_agg(%arg0: i32, %arg1: i32, %arg2: memref<10000x128xf32, #tpu.memory_space<hbm>>, %arg3: memref<2560x128xi32, #tpu.memory_space<hbm>>, %arg4: memref<2560x128xi32, #tpu.memory_space<hbm>>, %arg5: memref<2x10240x128xf32, #tpu.memory_space<hbm>>, %arg6: memref<2x10240x128xf32, #tpu.memory_space<hbm>>, %arg7: memref<10240x128xf32, #tpu.memory_space<vmem_shared>>, %arg8: memref<8x128xi32, #tpu.memory_space<vmem>>, %arg9: memref<8x128xi32, #tpu.memory_space<vmem>>, %arg10: memref<128x128xf32, #tpu.memory_space<vmem>>, %arg11: memref<128x128xf32, #tpu.memory_space<vmem>>, %arg12: memref<!tpu.dma_semaphore, #tpu.memory_space<semaphore_mem>>, %arg13: memref<!tpu.dma_semaphore, #tpu.memory_space<semaphore_mem>>) attributes {dimension_semantics = [#tpu.dimension_semantics<core_parallel>, #tpu.dimension_semantics<subcore_parallel>], iteration_bounds = array<i64: 2, 16>, scalar_prefetch = 0 : i64, scratch_operands = 7 : i64, tpu.core_type = #tpu.core_type<sc_vector_subcore>, window_params = [{transform_indices = #map}, {transform_indices = #map}, {transform_indices = #map}, {transform_indices = #map1}, {transform_indices = #map1}]} {
    %mul3A = arith.constant 16 : i32
    %mul3A_0 = arith.muli %arg0, %mul3A : i32
    %add3A = arith.addi %mul3A_0, %arg1 : i32
    %mul3A_1 = arith.constant 640 : i32
    %mul3A_2 = arith.muli %arg1, %mul3A_1 : i32
    %iota3A = tpu.iota {dimensions = array<i32: 0>} : vector<16xi32>
    %lt3A = arith.constant 0 : i32
    %lt3A_3 = vector.broadcast %lt3A : i32 to vector<16xi32>
    %lt3A_4 = arith.cmpi slt, %iota3A, %lt3A_3 : vector<16xi32>
    %jit3A = arith.constant 1.000000e+00 : f32
    %jit3A_5 = arith.constant 0.000000e+00 : f32
    %broadcast_in_dim3A = vector.broadcast %jit3A : f32 to vector<16xf32>
    %broadcast_in_dim3A_6 = vector.broadcast %jit3A_5 : f32 to vector<16xf32>
    %select_n3A = arith.select %lt3A_4, %broadcast_in_dim3A, %broadcast_in_dim3A_6 : vector<16xi1>, vector<16xf32>
    %ge3A = arith.constant 0 : i32
    %ge3A_7 = vector.broadcast %ge3A : i32 to vector<16xi32>
    %ge3A_8 = arith.cmpi sge, %iota3A, %ge3A_7 : vector<16xi32>
    %jit3A_9 = arith.constant 1.000000e+00 : f32
    %jit3A_10 = arith.constant 0.000000e+00 : f32
    %broadcast_in_dim3A_11 = vector.broadcast %jit3A_9 : f32 to vector<16xf32>
    %broadcast_in_dim3A_12 = vector.broadcast %jit3A_10 : f32 to vector<16xf32>
    %select_n3A_13 = arith.select %ge3A_8, %broadcast_in_dim3A_11, %broadcast_in_dim3A_12 : vector<16xi1>, vector<16xf32>
    %scan3A = arith.constant 0 : i32
    %scan3A_14 = arith.constant 0 : i32
    %scan3A_15 = arith.constant 128 : i32
    %scan3A_16 = arith.addi %scan3A_14, %scan3A_15 : i32
    %scan3A_17 = arith.constant 1 : i32
    scf.for %scan3A_73 = %scan3A_14 to %scan3A_16 step %scan3A_17  : i32 {
      %swap3A = arith.index_cast %scan3A_73 : i32 to index
      %swap3A_74 = arith.constant 0 : index
      %swap3A_75 = tpu.vector_load %arg10[%swap3A, %swap3A_74] {strides = array<i32>} : memref<128x128xf32, #tpu.memory_space<vmem>>, vector<1x16xf32>,
      %swap3A_76 = vector.shape_cast %swap3A_75 : vector<1x16xf32> to vector<16xf32>
      %swap3A_77 = vector.shape_cast %select_n3A : vector<16xf32> to vector<1x16xf32>
      tpu.vector_store %arg10[%swap3A, %swap3A_74], %swap3A_77 {strides = array<i32>} : memref<128x128xf32, #tpu.memory_space<vmem>>, vector<1x16xf32>,
      %swap3A_78 = arith.index_cast %scan3A_73 : i32 to index
      %swap3A_79 = arith.constant 16 : index
      %swap3A_80 = tpu.vector_load %arg10[%swap3A_78, %swap3A_79] {strides = array<i32>} : memref<128x128xf32, #tpu.memory_space<vmem>>, vector<1x16xf32>,
      %swap3A_81 = vector.shape_cast %swap3A_80 : vector<1x16xf32> to vector<16xf32>
      %swap3A_82 = vector.shape_cast %select_n3A : vector<16xf32> to vector<1x16xf32>
      tpu.vector_store %arg10[%swap3A_78, %swap3A_79], %swap3A_82 {strides = array<i32>} : memref<128x128xf32, #tpu.memory_space<vmem>>, vector<1x16xf32>,
      %swap3A_83 = arith.index_cast %scan3A_73 : i32 to index
      %swap3A_84 = arith.constant 32 : index
      %swap3A_85 = tpu.vector_load %arg10[%swap3A_83, %swap3A_84] {strides = array<i32>} : memref<128x128xf32, #tpu.memory_space<vmem>>, vector<1x16xf32>,
      %swap3A_86 = vector.shape_cast %swap3A_85 : vector<1x16xf32> to vector<16xf32>
      %swap3A_87 = vector.shape_cast %select_n3A : vector<16xf32> to vector<1x16xf32>
      tpu.vector_store %arg10[%swap3A_83, %swap3A_84], %swap3A_87 {strides = array<i32>} : memref<128x128xf32, #tpu.memory_space<vmem>>, vector<1x16xf32>,
      %swap3A_88 = arith.index_cast %scan3A_73 : i32 to index
      %swap3A_89 = arith.constant 48 : index
      %swap3A_90 = tpu.vector_load %arg10[%swap3A_88, %swap3A_89] {strides = array<i32>} : memref<128x128xf32, #tpu.memory_space<vmem>>, vector<1x16xf32>,
      %swap3A_91 = vector.shape_cast %swap3A_90 : vector<1x16xf32> to vector<16xf32>
      %swap3A_92 = vector.shape_cast %select_n3A : vector<16xf32> to vector<1x16xf32>
      tpu.vector_store %arg10[%swap3A_88, %swap3A_89], %swap3A_92 {strides = array<i32>} : memref<128x128xf32, #tpu.memory_space<vmem>>, vector<1x16xf32>,
      %swap3A_93 = arith.index_cast %scan3A_73 : i32 to index
      %swap3A_94 = arith.constant 64 : index
      %swap3A_95 = tpu.vector_load %arg10[%swap3A_93, %swap3A_94] {strides = array<i32>} : memref<128x128xf32, #tpu.memory_space<vmem>>, vector<1x16xf32>,
      %swap3A_96 = vector.shape_cast %swap3A_95 : vector<1x16xf32> to vector<16xf32>
      %swap3A_97 = vector.shape_cast %select_n3A : vector<16xf32> to vector<1x16xf32>
      tpu.vector_store %arg10[%swap3A_93, %swap3A_94], %swap3A_97 {strides = array<i32>} : memref<128x128xf32, #tpu.memory_space<vmem>>, vector<1x16xf32>,
      %swap3A_98 = arith.index_cast %scan3A_73 : i32 to index
      %swap3A_99 = arith.constant 80 : index
      %swap3A_100 = tpu.vector_load %arg10[%swap3A_98, %swap3A_99] {strides = array<i32>} : memref<128x128xf32, #tpu.memory_space<vmem>>, vector<1x16xf32>,
      %swap3A_101 = vector.shape_cast %swap3A_100 : vector<1x16xf32> to vector<16xf32>
      %swap3A_102 = vector.shape_cast %select_n3A : vector<16xf32> to vector<1x16xf32>
      tpu.vector_store %arg10[%swap3A_98, %swap3A_99], %swap3A_102 {strides = array<i32>} : memref<128x128xf32, #tpu.memory_space<vmem>>, vector<1x16xf32>,
      %swap3A_103 = arith.index_cast %scan3A_73 : i32 to index
      %swap3A_104 = arith.constant 96 : index
      %swap3A_105 = tpu.vector_load %arg10[%swap3A_103, %swap3A_104] {strides = array<i32>} : memref<128x128xf32, #tpu.memory_space<vmem>>, vector<1x16xf32>,
      %swap3A_106 = vector.shape_cast %swap3A_105 : vector<1x16xf32> to vector<16xf32>
      %swap3A_107 = vector.shape_cast %select_n3A : vector<16xf32> to vector<1x16xf32>
      tpu.vector_store %arg10[%swap3A_103, %swap3A_104], %swap3A_107 {strides = array<i32>} : memref<128x128xf32, #tpu.memory_space<vmem>>, vector<1x16xf32>,
      %swap3A_108 = arith.index_cast %scan3A_73 : i32 to index
      %swap3A_109 = arith.constant 112 : index
      %swap3A_110 = tpu.vector_load %arg10[%swap3A_108, %swap3A_109] {strides = array<i32>} : memref<128x128xf32, #tpu.memory_space<vmem>>, vector<1x16xf32>,
      %swap3A_111 = vector.shape_cast %swap3A_110 : vector<1x16xf32> to vector<16xf32>
      %swap3A_112 = vector.shape_cast %select_n3A : vector<16xf32> to vector<1x16xf32>
      tpu.vector_store %arg10[%swap3A_108, %swap3A_109], %swap3A_112 {strides = array<i32>} : memref<128x128xf32, #tpu.memory_space<vmem>>, vector<1x16xf32>,
    }
    %scan3A_18 = arith.constant 128 : i32
    %scan3A_19 = arith.constant 0 : i32
    %scan3A_20 = arith.constant 0 : i32
    %scan3A_21 = arith.constant 128 : i32
    %scan3A_22 = arith.addi %scan3A_20, %scan3A_21 : i32
    %scan3A_23 = arith.constant 1 : i32
    scf.for %scan3A_73 = %scan3A_20 to %scan3A_22 step %scan3A_23  : i32 {
      %swap3A = arith.index_cast %scan3A_73 : i32 to index
      %swap3A_74 = arith.constant 0 : index
      %swap3A_75 = tpu.vector_load %arg11[%swap3A, %swap3A_74] {strides = array<i32>} : memref<128x128xf32, #tpu.memory_space<vmem>>, vector<1x16xf32>,
      %swap3A_76 = vector.shape_cast %swap3A_75 : vector<1x16xf32> to vector<16xf32>
      %swap3A_77 = vector.shape_cast %select_n3A : vector<16xf32> to vector<1x16xf32>
      tpu.vector_store %arg11[%swap3A, %swap3A_74], %swap3A_77 {strides = array<i32>} : memref<128x128xf32, #tpu.memory_space<vmem>>, vector<1x16xf32>,
      %swap3A_78 = arith.index_cast %scan3A_73 : i32 to index
      %swap3A_79 = arith.constant 16 : index
      %swap3A_80 = tpu.vector_load %arg11[%swap3A_78, %swap3A_79] {strides = array<i32>} : memref<128x128xf32, #tpu.memory_space<vmem>>, vector<1x16xf32>,
      %swap3A_81 = vector.shape_cast %swap3A_80 : vector<1x16xf32> to vector<16xf32>
      %swap3A_82 = vector.shape_cast %select_n3A : vector<16xf32> to vector<1x16xf32>
      tpu.vector_store %arg11[%swap3A_78, %swap3A_79], %swap3A_82 {strides = array<i32>} : memref<128x128xf32, #tpu.memory_space<vmem>>, vector<1x16xf32>,
      %swap3A_83 = arith.index_cast %scan3A_73 : i32 to index
      %swap3A_84 = arith.constant 32 : index
      %swap3A_85 = tpu.vector_load %arg11[%swap3A_83, %swap3A_84] {strides = array<i32>} : memref<128x128xf32, #tpu.memory_space<vmem>>, vector<1x16xf32>,
      %swap3A_86 = vector.shape_cast %swap3A_85 : vector<1x16xf32> to vector<16xf32>
      %swap3A_87 = vector.shape_cast %select_n3A : vector<16xf32> to vector<1x16xf32>
      tpu.vector_store %arg11[%swap3A_83, %swap3A_84], %swap3A_87 {strides = array<i32>} : memref<128x128xf32, #tpu.memory_space<vmem>>, vector<1x16xf32>,
      %swap3A_88 = arith.index_cast %scan3A_73 : i32 to index
      %swap3A_89 = arith.constant 48 : index
      %swap3A_90 = tpu.vector_load %arg11[%swap3A_88, %swap3A_89] {strides = array<i32>} : memref<128x128xf32, #tpu.memory_space<vmem>>, vector<1x16xf32>,
      %swap3A_91 = vector.shape_cast %swap3A_90 : vector<1x16xf32> to vector<16xf32>
      %swap3A_92 = vector.shape_cast %select_n3A : vector<16xf32> to vector<1x16xf32>
      tpu.vector_store %arg11[%swap3A_88, %swap3A_89], %swap3A_92 {strides = array<i32>} : memref<128x128xf32, #tpu.memory_space<vmem>>, vector<1x16xf32>,
      %swap3A_93 = arith.index_cast %scan3A_73 : i32 to index
      %swap3A_94 = arith.constant 64 : index
      %swap3A_95 = tpu.vector_load %arg11[%swap3A_93, %swap3A_94] {strides = array<i32>} : memref<128x128xf32, #tpu.memory_space<vmem>>, vector<1x16xf32>,
      %swap3A_96 = vector.shape_cast %swap3A_95 : vector<1x16xf32> to vector<16xf32>
      %swap3A_97 = vector.shape_cast %select_n3A : vector<16xf32> to vector<1x16xf32>
      tpu.vector_store %arg11[%swap3A_93, %swap3A_94], %swap3A_97 {strides = array<i32>} : memref<128x128xf32, #tpu.memory_space<vmem>>, vector<1x16xf32>,
      %swap3A_98 = arith.index_cast %scan3A_73 : i32 to index
      %swap3A_99 = arith.constant 80 : index
      %swap3A_100 = tpu.vector_load %arg11[%swap3A_98, %swap3A_99] {strides = array<i32>} : memref<128x128xf32, #tpu.memory_space<vmem>>, vector<1x16xf32>,
      %swap3A_101 = vector.shape_cast %swap3A_100 : vector<1x16xf32> to vector<16xf32>
      %swap3A_102 = vector.shape_cast %select_n3A : vector<16xf32> to vector<1x16xf32>
      tpu.vector_store %arg11[%swap3A_98, %swap3A_99], %swap3A_102 {strides = array<i32>} : memref<128x128xf32, #tpu.memory_space<vmem>>, vector<1x16xf32>,
      %swap3A_103 = arith.index_cast %scan3A_73 : i32 to index
      %swap3A_104 = arith.constant 96 : index
      %swap3A_105 = tpu.vector_load %arg11[%swap3A_103, %swap3A_104] {strides = array<i32>} : memref<128x128xf32, #tpu.memory_space<vmem>>, vector<1x16xf32>,
      %swap3A_106 = vector.shape_cast %swap3A_105 : vector<1x16xf32> to vector<16xf32>
      %swap3A_107 = vector.shape_cast %select_n3A : vector<16xf32> to vector<1x16xf32>
      tpu.vector_store %arg11[%swap3A_103, %swap3A_104], %swap3A_107 {strides = array<i32>} : memref<128x128xf32, #tpu.memory_space<vmem>>, vector<1x16xf32>,
      %swap3A_108 = arith.index_cast %scan3A_73 : i32 to index
      %swap3A_109 = arith.constant 112 : index
      %swap3A_110 = tpu.vector_load %arg11[%swap3A_108, %swap3A_109] {strides = array<i32>} : memref<128x128xf32, #tpu.memory_space<vmem>>, vector<1x16xf32>,
      %swap3A_111 = vector.shape_cast %swap3A_110 : vector<1x16xf32> to vector<16xf32>
      %swap3A_112 = vector.shape_cast %select_n3A : vector<16xf32> to vector<1x16xf32>
      tpu.vector_store %arg11[%swap3A_108, %swap3A_109], %swap3A_112 {strides = array<i32>} : memref<128x128xf32, #tpu.memory_space<vmem>>, vector<1x16xf32>,
    }
    %scan3A_24 = arith.constant 128 : i32
    %add3A_25 = arith.constant 0 : i32
    %add3A_26 = arith.addi %mul3A_2, %add3A_25 : i32
    "tpu.region"() ({
      %run_scoped3A = tpu.sem_alloc : memref<!tpu.dma_semaphore, #tpu.memory_space<semaphore_mem>>
      %dma_start3A = arith.constant 0 : i32
      %dma_start3A_73 = tpu.memref_slice %arg7[%add3A_26, %dma_start3A] : memref<10240x128xf32, #tpu.memory_space<vmem_shared>> -> memref<128x128xf32, #tpu.memory_space<vmem_shared>>
      %dma_start3A_74 = arith.constant 0 : i32
      %dma_start3A_75 = tpu.memref_slice %arg7[%add3A_26, %dma_start3A_74] : memref<10240x128xf32, #tpu.memory_space<vmem_shared>> -> memref<128x128xf32, #tpu.memory_space<vmem_shared>>
      tpu.enqueue_dma source(%arg10 : memref<128x128xf32, #tpu.memory_space<vmem>>) target(%dma_start3A_75 : memref<128x128xf32, #tpu.memory_space<vmem_shared>>) target_semaphore(%run_scoped3A : memref<!tpu.dma_semaphore, #tpu.memory_space<semaphore_mem>>)
      %dma_wait3A = arith.constant 0 : i32
      %dma_wait3A_76 = tpu.memref_slice %arg7[%add3A_26, %dma_wait3A] : memref<10240x128xf32, #tpu.memory_space<vmem_shared>> -> memref<128x128xf32, #tpu.memory_space<vmem_shared>>
      %dma_wait3A_77 = arith.constant 0 : i32
      %dma_wait3A_78 = tpu.memref_slice %arg7[%add3A_26, %dma_wait3A_77] : memref<10240x128xf32, #tpu.memory_space<vmem_shared>> -> memref<128x128xf32, #tpu.memory_space<vmem_shared>>
      tpu.wait_dma2 semaphore(%run_scoped3A : memref<!tpu.dma_semaphore, #tpu.memory_space<semaphore_mem>>) src(%arg10 : memref<128x128xf32, #tpu.memory_space<vmem>>) dst(%dma_wait3A_78 : memref<128x128xf32, #tpu.memory_space<vmem_shared>>)
      tpu.yield
    }) : () -> ()
    %add3A_27 = arith.constant 128 : i32
    %add3A_28 = arith.addi %mul3A_2, %add3A_27 : i32
    "tpu.region"() ({
      %run_scoped3A = tpu.sem_alloc : memref<!tpu.dma_semaphore, #tpu.memory_space<semaphore_mem>>
      %dma_start3A = arith.constant 0 : i32
      %dma_start3A_73 = tpu.memref_slice %arg7[%add3A_28, %dma_start3A] : memref<10240x128xf32, #tpu.memory_space<vmem_shared>> -> memref<128x128xf32, #tpu.memory_space<vmem_shared>>
      %dma_start3A_74 = arith.constant 0 : i32
      %dma_start3A_75 = tpu.memref_slice %arg7[%add3A_28, %dma_start3A_74] : memref<10240x128xf32, #tpu.memory_space<vmem_shared>> -> memref<128x128xf32, #tpu.memory_space<vmem_shared>>
      tpu.enqueue_dma source(%arg10 : memref<128x128xf32, #tpu.memory_space<vmem>>) target(%dma_start3A_75 : memref<128x128xf32, #tpu.memory_space<vmem_shared>>) target_semaphore(%run_scoped3A : memref<!tpu.dma_semaphore, #tpu.memory_space<semaphore_mem>>)
      %dma_wait3A = arith.constant 0 : i32
      %dma_wait3A_76 = tpu.memref_slice %arg7[%add3A_28, %dma_wait3A] : memref<10240x128xf32, #tpu.memory_space<vmem_shared>> -> memref<128x128xf32, #tpu.memory_space<vmem_shared>>
      %dma_wait3A_77 = arith.constant 0 : i32
      %dma_wait3A_78 = tpu.memref_slice %arg7[%add3A_28, %dma_wait3A_77] : memref<10240x128xf32, #tpu.memory_space<vmem_shared>> -> memref<128x128xf32, #tpu.memory_space<vmem_shared>>
      tpu.wait_dma2 semaphore(%run_scoped3A : memref<!tpu.dma_semaphore, #tpu.memory_space<semaphore_mem>>) src(%arg10 : memref<128x128xf32, #tpu.memory_space<vmem>>) dst(%dma_wait3A_78 : memref<128x128xf32, #tpu.memory_space<vmem_shared>>)
      tpu.yield
    }) : () -> ()
    %add3A_29 = arith.constant 256 : i32
    %add3A_30 = arith.addi %mul3A_2, %add3A_29 : i32
    "tpu.region"() ({
      %run_scoped3A = tpu.sem_alloc : memref<!tpu.dma_semaphore, #tpu.memory_space<semaphore_mem>>
      %dma_start3A = arith.constant 0 : i32
      %dma_start3A_73 = tpu.memref_slice %arg7[%add3A_30, %dma_start3A] : memref<10240x128xf32, #tpu.memory_space<vmem_shared>> -> memref<128x128xf32, #tpu.memory_space<vmem_shared>>
      %dma_start3A_74 = arith.constant 0 : i32
      %dma_start3A_75 = tpu.memref_slice %arg7[%add3A_30, %dma_start3A_74] : memref<10240x128xf32, #tpu.memory_space<vmem_shared>> -> memref<128x128xf32, #tpu.memory_space<vmem_shared>>
      tpu.enqueue_dma source(%arg10 : memref<128x128xf32, #tpu.memory_space<vmem>>) target(%dma_start3A_75 : memref<128x128xf32, #tpu.memory_space<vmem_shared>>) target_semaphore(%run_scoped3A : memref<!tpu.dma_semaphore, #tpu.memory_space<semaphore_mem>>)
      %dma_wait3A = arith.constant 0 : i32
      %dma_wait3A_76 = tpu.memref_slice %arg7[%add3A_30, %dma_wait3A] : memref<10240x128xf32, #tpu.memory_space<vmem_shared>> -> memref<128x128xf32, #tpu.memory_space<vmem_shared>>
      %dma_wait3A_77 = arith.constant 0 : i32
      %dma_wait3A_78 = tpu.memref_slice %arg7[%add3A_30, %dma_wait3A_77] : memref<10240x128xf32, #tpu.memory_space<vmem_shared>> -> memref<128x128xf32, #tpu.memory_space<vmem_shared>>
      tpu.wait_dma2 semaphore(%run_scoped3A : memref<!tpu.dma_semaphore, #tpu.memory_space<semaphore_mem>>) src(%arg10 : memref<128x128xf32, #tpu.memory_space<vmem>>) dst(%dma_wait3A_78 : memref<128x128xf32, #tpu.memory_space<vmem_shared>>)
      tpu.yield
    }) : () -> ()
    %add3A_31 = arith.constant 384 : i32
    %add3A_32 = arith.addi %mul3A_2, %add3A_31 : i32
    "tpu.region"() ({
      %run_scoped3A = tpu.sem_alloc : memref<!tpu.dma_semaphore, #tpu.memory_space<semaphore_mem>>
      %dma_start3A = arith.constant 0 : i32
      %dma_start3A_73 = tpu.memref_slice %arg7[%add3A_32, %dma_start3A] : memref<10240x128xf32, #tpu.memory_space<vmem_shared>> -> memref<128x128xf32, #tpu.memory_space<vmem_shared>>
      %dma_start3A_74 = arith.constant 0 : i32
      %dma_start3A_75 = tpu.memref_slice %arg7[%add3A_32, %dma_start3A_74] : memref<10240x128xf32, #tpu.memory_space<vmem_shared>> -> memref<128x128xf32, #tpu.memory_space<vmem_shared>>
      tpu.enqueue_dma source(%arg10 : memref<128x128xf32, #tpu.memory_space<vmem>>) target(%dma_start3A_75 : memref<128x128xf32, #tpu.memory_space<vmem_shared>>) target_semaphore(%run_scoped3A : memref<!tpu.dma_semaphore, #tpu.memory_space<semaphore_mem>>)
      %dma_wait3A = arith.constant 0 : i32
      %dma_wait3A_76 = tpu.memref_slice %arg7[%add3A_32, %dma_wait3A] : memref<10240x128xf32, #tpu.memory_space<vmem_shared>> -> memref<128x128xf32, #tpu.memory_space<vmem_shared>>
      %dma_wait3A_77 = arith.constant 0 : i32
      %dma_wait3A_78 = tpu.memref_slice %arg7[%add3A_32, %dma_wait3A_77] : memref<10240x128xf32, #tpu.memory_space<vmem_shared>> -> memref<128x128xf32, #tpu.memory_space<vmem_shared>>
      tpu.wait_dma2 semaphore(%run_scoped3A : memref<!tpu.dma_semaphore, #tpu.memory_space<semaphore_mem>>) src(%arg10 : memref<128x128xf32, #tpu.memory_space<vmem>>) dst(%dma_wait3A_78 : memref<128x128xf32, #tpu.memory_space<vmem_shared>>)
      tpu.yield
    }) : () -> ()
    %add3A_33 = arith.constant 512 : i32
    %add3A_34 = arith.addi %mul3A_2, %add3A_33 : i32
    "tpu.region"() ({
      %run_scoped3A = tpu.sem_alloc : memref<!tpu.dma_semaphore, #tpu.memory_space<semaphore_mem>>
      %dma_start3A = arith.constant 0 : i32
      %dma_start3A_73 = tpu.memref_slice %arg7[%add3A_34, %dma_start3A] : memref<10240x128xf32, #tpu.memory_space<vmem_shared>> -> memref<128x128xf32, #tpu.memory_space<vmem_shared>>
      %dma_start3A_74 = arith.constant 0 : i32
      %dma_start3A_75 = tpu.memref_slice %arg7[%add3A_34, %dma_start3A_74] : memref<10240x128xf32, #tpu.memory_space<vmem_shared>> -> memref<128x128xf32, #tpu.memory_space<vmem_shared>>
      tpu.enqueue_dma source(%arg10 : memref<128x128xf32, #tpu.memory_space<vmem>>) target(%dma_start3A_75 : memref<128x128xf32, #tpu.memory_space<vmem_shared>>) target_semaphore(%run_scoped3A : memref<!tpu.dma_semaphore, #tpu.memory_space<semaphore_mem>>)
      %dma_wait3A = arith.constant 0 : i32
      %dma_wait3A_76 = tpu.memref_slice %arg7[%add3A_34, %dma_wait3A] : memref<10240x128xf32, #tpu.memory_space<vmem_shared>> -> memref<128x128xf32, #tpu.memory_space<vmem_shared>>
      %dma_wait3A_77 = arith.constant 0 : i32
      %dma_wait3A_78 = tpu.memref_slice %arg7[%add3A_34, %dma_wait3A_77] : memref<10240x128xf32, #tpu.memory_space<vmem_shared>> -> memref<128x128xf32, #tpu.memory_space<vmem_shared>>
      tpu.wait_dma2 semaphore(%run_scoped3A : memref<!tpu.dma_semaphore, #tpu.memory_space<semaphore_mem>>) src(%arg10 : memref<128x128xf32, #tpu.memory_space<vmem>>) dst(%dma_wait3A_78 : memref<128x128xf32, #tpu.memory_space<vmem_shared>>)
      tpu.yield
    }) : () -> ()
    %barrier3A = arith.constant 0 : index
    tpu.barrier barrier_id(%barrier3A)
    %scan3A_35 = arith.constant 0 : i32
    %scan3A_36 = arith.constant 0 : i32
    %scan3A_37 = arith.constant 10 : i32
    %scan3A_38 = arith.addi %scan3A_36, %scan3A_37 : i32
    %scan3A_39 = arith.constant 1 : i32
    scf.for %scan3A_73 = %scan3A_36 to %scan3A_38 step %scan3A_39  : i32 {
      %mul3A_74 = arith.constant 80 : i32
      %mul3A_75 = arith.muli %add3A, %mul3A_74 : i32
      %mul3A_76 = arith.constant 8 : i32
      %mul3A_77 = arith.muli %scan3A_73, %mul3A_76 : i32
      %add3A_78 = arith.addi %mul3A_75, %mul3A_77 : i32
      %multiple_of3A = tpu.assume_multiple %add3A_78, 8 : i32
      "tpu.region"() ({
        %run_scoped3A_202 = tpu.sem_alloc : memref<!tpu.dma_semaphore, #tpu.memory_space<semaphore_mem>>
        %dma_start3A_203 = arith.constant 0 : i32
        %dma_start3A_204 = tpu.memref_slice %arg3[%multiple_of3A, %dma_start3A_203] : memref<2560x128xi32, #tpu.memory_space<hbm>> -> memref<8x128xi32, #tpu.memory_space<hbm>>
        %dma_start3A_205 = arith.constant 0 : i32
        %dma_start3A_206 = tpu.memref_slice %arg3[%multiple_of3A, %dma_start3A_205] : memref<2560x128xi32, #tpu.memory_space<hbm>> -> memref<8x128xi32, #tpu.memory_space<hbm>>
        tpu.enqueue_dma source(%dma_start3A_206 : memref<8x128xi32, #tpu.memory_space<hbm>>) target(%arg8 : memref<8x128xi32, #tpu.memory_space<vmem>>) target_semaphore(%run_scoped3A_202 : memref<!tpu.dma_semaphore, #tpu.memory_space<semaphore_mem>>)
        %dma_wait3A_207 = arith.constant 0 : i32
        %dma_wait3A_208 = tpu.memref_slice %arg3[%multiple_of3A, %dma_wait3A_207] : memref<2560x128xi32, #tpu.memory_space<hbm>> -> memref<8x128xi32, #tpu.memory_space<hbm>>
        %dma_wait3A_209 = arith.constant 0 : i32
        %dma_wait3A_210 = tpu.memref_slice %arg3[%multiple_of3A, %dma_wait3A_209] : memref<2560x128xi32, #tpu.memory_space<hbm>> -> memref<8x128xi32, #tpu.memory_space<hbm>>
        tpu.wait_dma2 semaphore(%run_scoped3A_202 : memref<!tpu.dma_semaphore, #tpu.memory_space<semaphore_mem>>) src(%dma_wait3A_210 : memref<8x128xi32, #tpu.memory_space<hbm>>) dst(%arg8 : memref<8x128xi32, #tpu.memory_space<vmem>>)
        tpu.yield
      }) : () -> ()
      %mul3A_79 = arith.constant 80 : i32
      %mul3A_80 = arith.muli %add3A, %mul3A_79 : i32
      %mul3A_81 = arith.constant 8 : i32
      %mul3A_82 = arith.muli %scan3A_73, %mul3A_81 : i32
      %add3A_83 = arith.addi %mul3A_80, %mul3A_82 : i32
      %multiple_of3A_84 = tpu.assume_multiple %add3A_83, 8 : i32
      "tpu.region"() ({
        %run_scoped3A_202 = tpu.sem_alloc : memref<!tpu.dma_semaphore, #tpu.memory_space<semaphore_mem>>
        %dma_start3A_203 = arith.constant 0 : i32
        %dma_start3A_204 = tpu.memref_slice %arg4[%multiple_of3A_84, %dma_start3A_203] : memref<2560x128xi32, #tpu.memory_space<hbm>> -> memref<8x128xi32, #tpu.memory_space<hbm>>
        %dma_start3A_205 = arith.constant 0 : i32
        %dma_start3A_206 = tpu.memref_slice %arg4[%multiple_of3A_84, %dma_start3A_205] : memref<2560x128xi32, #tpu.memory_space<hbm>> -> memref<8x128xi32, #tpu.memory_space<hbm>>
        tpu.enqueue_dma source(%dma_start3A_206 : memref<8x128xi32, #tpu.memory_space<hbm>>) target(%arg9 : memref<8x128xi32, #tpu.memory_space<vmem>>) target_semaphore(%run_scoped3A_202 : memref<!tpu.dma_semaphore, #tpu.memory_space<semaphore_mem>>)
        %dma_wait3A_207 = arith.constant 0 : i32
        %dma_wait3A_208 = tpu.memref_slice %arg4[%multiple_of3A_84, %dma_wait3A_207] : memref<2560x128xi32, #tpu.memory_space<hbm>> -> memref<8x128xi32, #tpu.memory_space<hbm>>
        %dma_wait3A_209 = arith.constant 0 : i32
        %dma_wait3A_210 = tpu.memref_slice %arg4[%multiple_of3A_84, %dma_wait3A_209] : memref<2560x128xi32, #tpu.memory_space<hbm>> -> memref<8x128xi32, #tpu.memory_space<hbm>>
        tpu.wait_dma2 semaphore(%run_scoped3A_202 : memref<!tpu.dma_semaphore, #tpu.memory_space<semaphore_mem>>) src(%dma_wait3A_210 : memref<8x128xi32, #tpu.memory_space<hbm>>) dst(%arg9 : memref<8x128xi32, #tpu.memory_space<vmem>>)
        tpu.yield
      }) : () -> ()
      %dma_start3A = arith.constant 0 : i32
      %dma_start3A_85 = arith.constant 0 : i32
      %dma_start3A_86 = tpu.memref_slice %arg8[%dma_start3A, %dma_start3A_85] : memref<8x128xi32, #tpu.memory_space<vmem>> -> memref<1x128xi32, #tpu.memory_space<vmem>>
      %dma_start3A_87 = tpu.memref_squeeze %dma_start3A_86 : memref<1x128xi32, #tpu.memory_space<vmem>> -> memref<128xi32, #tpu.memory_space<vmem>>
      %dma_start3A_88 = arith.constant 0 : i32
      %dma_start3A_89 = arith.constant 0 : i32
      %dma_start3A_90 = tpu.memref_slice %arg2[%dma_start3A_88, %dma_start3A_89] : memref<10000x128xf32, #tpu.memory_space<hbm>> -> memref<10000x128xf32, #tpu.memory_space<hbm>>
      tpu.enqueue_indirect_dma source(%dma_start3A_90 : memref<10000x128xf32, #tpu.memory_space<hbm>>) target(%arg10 : memref<128x128xf32, #tpu.memory_space<vmem>>) offsets(%dma_start3A_87 : memref<128xi32, #tpu.memory_space<vmem>>) semaphore(%arg12 : memref<!tpu.dma_semaphore, #tpu.memory_space<semaphore_mem>>)
      %dma_start3A_91 = arith.constant 1 : i32
      %dma_start3A_92 = arith.constant 0 : i32
      %dma_start3A_93 = tpu.memref_slice %arg8[%dma_start3A_91, %dma_start3A_92] : memref<8x128xi32, #tpu.memory_space<vmem>> -> memref<1x128xi32, #tpu.memory_space<vmem>>
      %dma_start3A_94 = tpu.memref_squeeze %dma_start3A_93 : memref<1x128xi32, #tpu.memory_space<vmem>> -> memref<128xi32, #tpu.memory_space<vmem>>
      %dma_start3A_95 = arith.constant 0 : i32
      %dma_start3A_96 = arith.constant 0 : i32
      %dma_start3A_97 = tpu.memref_slice %arg2[%dma_start3A_95, %dma_start3A_96] : memref<10000x128xf32, #tpu.memory_space<hbm>> -> memref<10000x128xf32, #tpu.memory_space<hbm>>
      tpu.enqueue_indirect_dma source(%dma_start3A_97 : memref<10000x128xf32, #tpu.memory_space<hbm>>) target(%arg11 : memref<128x128xf32, #tpu.memory_space<vmem>>) offsets(%dma_start3A_94 : memref<128xi32, #tpu.memory_space<vmem>>) semaphore(%arg13 : memref<!tpu.dma_semaphore, #tpu.memory_space<semaphore_mem>>)
      %dma_wait3A = arith.constant 0 : i32
      %dma_wait3A_98 = arith.constant 0 : i32
      %dma_wait3A_99 = tpu.memref_slice %arg8[%dma_wait3A, %dma_wait3A_98] : memref<8x128xi32, #tpu.memory_space<vmem>> -> memref<1x128xi32, #tpu.memory_space<vmem>>
      %dma_wait3A_100 = tpu.memref_squeeze %dma_wait3A_99 : memref<1x128xi32, #tpu.memory_space<vmem>> -> memref<128xi32, #tpu.memory_space<vmem>>
      %dma_wait3A_101 = arith.constant 0 : i32
      %dma_wait3A_102 = arith.constant 0 : i32
      %dma_wait3A_103 = tpu.memref_slice %arg2[%dma_wait3A_101, %dma_wait3A_102] : memref<10000x128xf32, #tpu.memory_space<hbm>> -> memref<10000x128xf32, #tpu.memory_space<hbm>>
      tpu.wait_indirect_dma semaphore(%arg12 : memref<!tpu.dma_semaphore, #tpu.memory_space<semaphore_mem>>) src(%dma_wait3A_103 : memref<10000x128xf32, #tpu.memory_space<hbm>>) dst(%arg10 : memref<128x128xf32, #tpu.memory_space<vmem>>)
      %run_scoped3A = arith.constant 0 : i32
      "tpu.region"() ({
        %run_scoped3A_202 = tpu.sem_alloc : memref<!tpu.dma_semaphore, #tpu.memory_space<semaphore_mem>>
        %dma_start3A_203 = arith.constant 0 : i32
        %dma_start3A_204 = tpu.memref_slice %arg9[%run_scoped3A, %dma_start3A_203] : memref<8x128xi32, #tpu.memory_space<vmem>> -> memref<1x128xi32, #tpu.memory_space<vmem>>
        %dma_start3A_205 = tpu.memref_squeeze %dma_start3A_204 : memref<1x128xi32, #tpu.memory_space<vmem>> -> memref<128xi32, #tpu.memory_space<vmem>>
        %dma_start3A_206 = arith.constant 0 : i32
        %dma_start3A_207 = arith.constant 0 : i32
        %dma_start3A_208 = tpu.memref_slice %arg7[%dma_start3A_206, %dma_start3A_207] : memref<10240x128xf32, #tpu.memory_space<vmem_shared>> -> memref<10240x128xf32, #tpu.memory_space<vmem_shared>>
        tpu.enqueue_indirect_dma source(%arg10 : memref<128x128xf32, #tpu.memory_space<vmem>>) target(%dma_start3A_208 : memref<10240x128xf32, #tpu.memory_space<vmem_shared>>) offsets(%dma_start3A_205 : memref<128xi32, #tpu.memory_space<vmem>>) semaphore(%run_scoped3A_202 : memref<!tpu.dma_semaphore, #tpu.memory_space<semaphore_mem>>) {add = true}
        %dma_wait3A_209 = arith.constant 0 : i32
        %dma_wait3A_210 = tpu.memref_slice %arg9[%run_scoped3A, %dma_wait3A_209] : memref<8x128xi32, #tpu.memory_space<vmem>> -> memref<1x128xi32, #tpu.memory_space<vmem>>
        %dma_wait3A_211 = tpu.memref_squeeze %dma_wait3A_210 : memref<1x128xi32, #tpu.memory_space<vmem>> -> memref<128xi32, #tpu.memory_space<vmem>>
        %dma_wait3A_212 = arith.constant 0 : i32
        %dma_wait3A_213 = arith.constant 0 : i32
        %dma_wait3A_214 = tpu.memref_slice %arg7[%dma_wait3A_212, %dma_wait3A_213] : memref<10240x128xf32, #tpu.memory_space<vmem_shared>> -> memref<10240x128xf32, #tpu.memory_space<vmem_shared>>
        tpu.wait_indirect_dma semaphore(%run_scoped3A_202 : memref<!tpu.dma_semaphore, #tpu.memory_space<semaphore_mem>>) src(%arg10 : memref<128x128xf32, #tpu.memory_space<vmem>>) dst(%dma_wait3A_214 : memref<10240x128xf32, #tpu.memory_space<vmem_shared>>)
        tpu.yield
      }) : () -> ()
      %dma_start3A_104 = arith.constant 2 : i32
      %dma_start3A_105 = arith.constant 0 : i32
      %dma_start3A_106 = tpu.memref_slice %arg8[%dma_start3A_104, %dma_start3A_105] : memref<8x128xi32, #tpu.memory_space<vmem>> -> memref<1x128xi32, #tpu.memory_space<vmem>>
      %dma_start3A_107 = tpu.memref_squeeze %dma_start3A_106 : memref<1x128xi32, #tpu.memory_space<vmem>> -> memref<128xi32, #tpu.memory_space<vmem>>
      %dma_start3A_108 = arith.constant 0 : i32
      %dma_start3A_109 = arith.constant 0 : i32
      %dma_start3A_110 = tpu.memref_slice %arg2[%dma_start3A_108, %dma_start3A_109] : memref<10000x128xf32, #tpu.memory_space<hbm>> -> memref<10000x128xf32, #tpu.memory_space<hbm>>
      tpu.enqueue_indirect_dma source(%dma_start3A_110 : memref<10000x128xf32, #tpu.memory_space<hbm>>) target(%arg10 : memref<128x128xf32, #tpu.memory_space<vmem>>) offsets(%dma_start3A_107 : memref<128xi32, #tpu.memory_space<vmem>>) semaphore(%arg12 : memref<!tpu.dma_semaphore, #tpu.memory_space<semaphore_mem>>)
      %dma_wait3A_111 = arith.constant 1 : i32
      %dma_wait3A_112 = arith.constant 0 : i32
      %dma_wait3A_113 = tpu.memref_slice %arg8[%dma_wait3A_111, %dma_wait3A_112] : memref<8x128xi32, #tpu.memory_space<vmem>> -> memref<1x128xi32, #tpu.memory_space<vmem>>
      %dma_wait3A_114 = tpu.memref_squeeze %dma_wait3A_113 : memref<1x128xi32, #tpu.memory_space<vmem>> -> memref<128xi32, #tpu.memory_space<vmem>>
      %dma_wait3A_115 = arith.constant 0 : i32
      %dma_wait3A_116 = arith.constant 0 : i32
      %dma_wait3A_117 = tpu.memref_slice %arg2[%dma_wait3A_115, %dma_wait3A_116] : memref<10000x128xf32, #tpu.memory_space<hbm>> -> memref<10000x128xf32, #tpu.memory_space<hbm>>
      tpu.wait_indirect_dma semaphore(%arg13 : memref<!tpu.dma_semaphore, #tpu.memory_space<semaphore_mem>>) src(%dma_wait3A_117 : memref<10000x128xf32, #tpu.memory_space<hbm>>) dst(%arg11 : memref<128x128xf32, #tpu.memory_space<vmem>>)
      %run_scoped3A_118 = arith.constant 1 : i32
      "tpu.region"() ({
        %run_scoped3A_202 = tpu.sem_alloc : memref<!tpu.dma_semaphore, #tpu.memory_space<semaphore_mem>>
        %dma_start3A_203 = arith.constant 0 : i32
        %dma_start3A_204 = tpu.memref_slice %arg9[%run_scoped3A_118, %dma_start3A_203] : memref<8x128xi32, #tpu.memory_space<vmem>> -> memref<1x128xi32, #tpu.memory_space<vmem>>
        %dma_start3A_205 = tpu.memref_squeeze %dma_start3A_204 : memref<1x128xi32, #tpu.memory_space<vmem>> -> memref<128xi32, #tpu.memory_space<vmem>>
        %dma_start3A_206 = arith.constant 0 : i32
        %dma_start3A_207 = arith.constant 0 : i32
        %dma_start3A_208 = tpu.memref_slice %arg7[%dma_start3A_206, %dma_start3A_207] : memref<10240x128xf32, #tpu.memory_space<vmem_shared>> -> memref<10240x128xf32, #tpu.memory_space<vmem_shared>>
        tpu.enqueue_indirect_dma source(%arg11 : memref<128x128xf32, #tpu.memory_space<vmem>>) target(%dma_start3A_208 : memref<10240x128xf32, #tpu.memory_space<vmem_shared>>) offsets(%dma_start3A_205 : memref<128xi32, #tpu.memory_space<vmem>>) semaphore(%run_scoped3A_202 : memref<!tpu.dma_semaphore, #tpu.memory_space<semaphore_mem>>) {add = true}
        %dma_wait3A_209 = arith.constant 0 : i32
        %dma_wait3A_210 = tpu.memref_slice %arg9[%run_scoped3A_118, %dma_wait3A_209] : memref<8x128xi32, #tpu.memory_space<vmem>> -> memref<1x128xi32, #tpu.memory_space<vmem>>
        %dma_wait3A_211 = tpu.memref_squeeze %dma_wait3A_210 : memref<1x128xi32, #tpu.memory_space<vmem>> -> memref<128xi32, #tpu.memory_space<vmem>>
        %dma_wait3A_212 = arith.constant 0 : i32
        %dma_wait3A_213 = arith.constant 0 : i32
        %dma_wait3A_214 = tpu.memref_slice %arg7[%dma_wait3A_212, %dma_wait3A_213] : memref<10240x128xf32, #tpu.memory_space<vmem_shared>> -> memref<10240x128xf32, #tpu.memory_space<vmem_shared>>
        tpu.wait_indirect_dma semaphore(%run_scoped3A_202 : memref<!tpu.dma_semaphore, #tpu.memory_space<semaphore_mem>>) src(%arg11 : memref<128x128xf32, #tpu.memory_space<vmem>>) dst(%dma_wait3A_214 : memref<10240x128xf32, #tpu.memory_space<vmem_shared>>)
        tpu.yield
      }) : () -> ()
      %dma_start3A_119 = arith.constant 3 : i32
      %dma_start3A_120 = arith.constant 0 : i32
      %dma_start3A_121 = tpu.memref_slice %arg8[%dma_start3A_119, %dma_start3A_120] : memref<8x128xi32, #tpu.memory_space<vmem>> -> memref<1x128xi32, #tpu.memory_space<vmem>>
      %dma_start3A_122 = tpu.memref_squeeze %dma_start3A_121 : memref<1x128xi32, #tpu.memory_space<vmem>> -> memref<128xi32, #tpu.memory_space<vmem>>
      %dma_start3A_123 = arith.constant 0 : i32
      %dma_start3A_124 = arith.constant 0 : i32
      %dma_start3A_125 = tpu.memref_slice %arg2[%dma_start3A_123, %dma_start3A_124] : memref<10000x128xf32, #tpu.memory_space<hbm>> -> memref<10000x128xf32, #tpu.memory_space<hbm>>
      tpu.enqueue_indirect_dma source(%dma_start3A_125 : memref<10000x128xf32, #tpu.memory_space<hbm>>) target(%arg11 : memref<128x128xf32, #tpu.memory_space<vmem>>) offsets(%dma_start3A_122 : memref<128xi32, #tpu.memory_space<vmem>>) semaphore(%arg13 : memref<!tpu.dma_semaphore, #tpu.memory_space<semaphore_mem>>)
      %dma_wait3A_126 = arith.constant 2 : i32
      %dma_wait3A_127 = arith.constant 0 : i32
      %dma_wait3A_128 = tpu.memref_slice %arg8[%dma_wait3A_126, %dma_wait3A_127] : memref<8x128xi32, #tpu.memory_space<vmem>> -> memref<1x128xi32, #tpu.memory_space<vmem>>
      %dma_wait3A_129 = tpu.memref_squeeze %dma_wait3A_128 : memref<1x128xi32, #tpu.memory_space<vmem>> -> memref<128xi32, #tpu.memory_space<vmem>>
      %dma_wait3A_130 = arith.constant 0 : i32
      %dma_wait3A_131 = arith.constant 0 : i32
      %dma_wait3A_132 = tpu.memref_slice %arg2[%dma_wait3A_130, %dma_wait3A_131] : memref<10000x128xf32, #tpu.memory_space<hbm>> -> memref<10000x128xf32, #tpu.memory_space<hbm>>
      tpu.wait_indirect_dma semaphore(%arg12 : memref<!tpu.dma_semaphore, #tpu.memory_space<semaphore_mem>>) src(%dma_wait3A_132 : memref<10000x128xf32, #tpu.memory_space<hbm>>) dst(%arg10 : memref<128x128xf32, #tpu.memory_space<vmem>>)
      %run_scoped3A_133 = arith.constant 2 : i32
      "tpu.region"() ({
        %run_scoped3A_202 = tpu.sem_alloc : memref<!tpu.dma_semaphore, #tpu.memory_space<semaphore_mem>>
        %dma_start3A_203 = arith.constant 0 : i32
        %dma_start3A_204 = tpu.memref_slice %arg9[%run_scoped3A_133, %dma_start3A_203] : memref<8x128xi32, #tpu.memory_space<vmem>> -> memref<1x128xi32, #tpu.memory_space<vmem>>
        %dma_start3A_205 = tpu.memref_squeeze %dma_start3A_204 : memref<1x128xi32, #tpu.memory_space<vmem>> -> memref<128xi32, #tpu.memory_space<vmem>>
        %dma_start3A_206 = arith.constant 0 : i32
        %dma_start3A_207 = arith.constant 0 : i32
        %dma_start3A_208 = tpu.memref_slice %arg7[%dma_start3A_206, %dma_start3A_207] : memref<10240x128xf32, #tpu.memory_space<vmem_shared>> -> memref<10240x128xf32, #tpu.memory_space<vmem_shared>>
        tpu.enqueue_indirect_dma source(%arg10 : memref<128x128xf32, #tpu.memory_space<vmem>>) target(%dma_start3A_208 : memref<10240x128xf32, #tpu.memory_space<vmem_shared>>) offsets(%dma_start3A_205 : memref<128xi32, #tpu.memory_space<vmem>>) semaphore(%run_scoped3A_202 : memref<!tpu.dma_semaphore, #tpu.memory_space<semaphore_mem>>) {add = true}
        %dma_wait3A_209 = arith.constant 0 : i32
        %dma_wait3A_210 = tpu.memref_slice %arg9[%run_scoped3A_133, %dma_wait3A_209] : memref<8x128xi32, #tpu.memory_space<vmem>> -> memref<1x128xi32, #tpu.memory_space<vmem>>
        %dma_wait3A_211 = tpu.memref_squeeze %dma_wait3A_210 : memref<1x128xi32, #tpu.memory_space<vmem>> -> memref<128xi32, #tpu.memory_space<vmem>>
        %dma_wait3A_212 = arith.constant 0 : i32
        %dma_wait3A_213 = arith.constant 0 : i32
        %dma_wait3A_214 = tpu.memref_slice %arg7[%dma_wait3A_212, %dma_wait3A_213] : memref<10240x128xf32, #tpu.memory_space<vmem_shared>> -> memref<10240x128xf32, #tpu.memory_space<vmem_shared>>
        tpu.wait_indirect_dma semaphore(%run_scoped3A_202 : memref<!tpu.dma_semaphore, #tpu.memory_space<semaphore_mem>>) src(%arg10 : memref<128x128xf32, #tpu.memory_space<vmem>>) dst(%dma_wait3A_214 : memref<10240x128xf32, #tpu.memory_space<vmem_shared>>)
        tpu.yield
      }) : () -> ()
      %dma_start3A_134 = arith.constant 4 : i32
      %dma_start3A_135 = arith.constant 0 : i32
      %dma_start3A_136 = tpu.memref_slice %arg8[%dma_start3A_134, %dma_start3A_135] : memref<8x128xi32, #tpu.memory_space<vmem>> -> memref<1x128xi32, #tpu.memory_space<vmem>>
      %dma_start3A_137 = tpu.memref_squeeze %dma_start3A_136 : memref<1x128xi32, #tpu.memory_space<vmem>> -> memref<128xi32, #tpu.memory_space<vmem>>
      %dma_start3A_138 = arith.constant 0 : i32
      %dma_start3A_139 = arith.constant 0 : i32
      %dma_start3A_140 = tpu.memref_slice %arg2[%dma_start3A_138, %dma_start3A_139] : memref<10000x128xf32, #tpu.memory_space<hbm>> -> memref<10000x128xf32, #tpu.memory_space<hbm>>
      tpu.enqueue_indirect_dma source(%dma_start3A_140 : memref<10000x128xf32, #tpu.memory_space<hbm>>) target(%arg10 : memref<128x128xf32, #tpu.memory_space<vmem>>) offsets(%dma_start3A_137 : memref<128xi32, #tpu.memory_space<vmem>>) semaphore(%arg12 : memref<!tpu.dma_semaphore, #tpu.memory_space<semaphore_mem>>)
      %dma_wait3A_141 = arith.constant 3 : i32
      %dma_wait3A_142 = arith.constant 0 : i32
      %dma_wait3A_143 = tpu.memref_slice %arg8[%dma_wait3A_141, %dma_wait3A_142] : memref<8x128xi32, #tpu.memory_space<vmem>> -> memref<1x128xi32, #tpu.memory_space<vmem>>
      %dma_wait3A_144 = tpu.memref_squeeze %dma_wait3A_143 : memref<1x128xi32, #tpu.memory_space<vmem>> -> memref<128xi32, #tpu.memory_space<vmem>>
      %dma_wait3A_145 = arith.constant 0 : i32
      %dma_wait3A_146 = arith.constant 0 : i32
      %dma_wait3A_147 = tpu.memref_slice %arg2[%dma_wait3A_145, %dma_wait3A_146] : memref<10000x128xf32, #tpu.memory_space<hbm>> -> memref<10000x128xf32, #tpu.memory_space<hbm>>
      tpu.wait_indirect_dma semaphore(%arg13 : memref<!tpu.dma_semaphore, #tpu.memory_space<semaphore_mem>>) src(%dma_wait3A_147 : memref<10000x128xf32, #tpu.memory_space<hbm>>) dst(%arg11 : memref<128x128xf32, #tpu.memory_space<vmem>>)
      %run_scoped3A_148 = arith.constant 3 : i32
      "tpu.region"() ({
        %run_scoped3A_202 = tpu.sem_alloc : memref<!tpu.dma_semaphore, #tpu.memory_space<semaphore_mem>>
        %dma_start3A_203 = arith.constant 0 : i32
        %dma_start3A_204 = tpu.memref_slice %arg9[%run_scoped3A_148, %dma_start3A_203] : memref<8x128xi32, #tpu.memory_space<vmem>> -> memref<1x128xi32, #tpu.memory_space<vmem>>
        %dma_start3A_205 = tpu.memref_squeeze %dma_start3A_204 : memref<1x128xi32, #tpu.memory_space<vmem>> -> memref<128xi32, #tpu.memory_space<vmem>>
        %dma_start3A_206 = arith.constant 0 : i32
        %dma_start3A_207 = arith.constant 0 : i32
        %dma_start3A_208 = tpu.memref_slice %arg7[%dma_start3A_206, %dma_start3A_207] : memref<10240x128xf32, #tpu.memory_space<vmem_shared>> -> memref<10240x128xf32, #tpu.memory_space<vmem_shared>>
        tpu.enqueue_indirect_dma source(%arg11 : memref<128x128xf32, #tpu.memory_space<vmem>>) target(%dma_start3A_208 : memref<10240x128xf32, #tpu.memory_space<vmem_shared>>) offsets(%dma_start3A_205 : memref<128xi32, #tpu.memory_space<vmem>>) semaphore(%run_scoped3A_202 : memref<!tpu.dma_semaphore, #tpu.memory_space<semaphore_mem>>) {add = true}
        %dma_wait3A_209 = arith.constant 0 : i32
        %dma_wait3A_210 = tpu.memref_slice %arg9[%run_scoped3A_148, %dma_wait3A_209] : memref<8x128xi32, #tpu.memory_space<vmem>> -> memref<1x128xi32, #tpu.memory_space<vmem>>
        %dma_wait3A_211 = tpu.memref_squeeze %dma_wait3A_210 : memref<1x128xi32, #tpu.memory_space<vmem>> -> memref<128xi32, #tpu.memory_space<vmem>>
        %dma_wait3A_212 = arith.constant 0 : i32
        %dma_wait3A_213 = arith.constant 0 : i32
        %dma_wait3A_214 = tpu.memref_slice %arg7[%dma_wait3A_212, %dma_wait3A_213] : memref<10240x128xf32, #tpu.memory_space<vmem_shared>> -> memref<10240x128xf32, #tpu.memory_space<vmem_shared>>
        tpu.wait_indirect_dma semaphore(%run_scoped3A_202 : memref<!tpu.dma_semaphore, #tpu.memory_space<semaphore_mem>>) src(%arg11 : memref<128x128xf32, #tpu.memory_space<vmem>>) dst(%dma_wait3A_214 : memref<10240x128xf32, #tpu.memory_space<vmem_shared>>)
        tpu.yield
      }) : () -> ()
      %dma_start3A_149 = arith.constant 5 : i32
      %dma_start3A_150 = arith.constant 0 : i32
      %dma_start3A_151 = tpu.memref_slice %arg8[%dma_start3A_149, %dma_start3A_150] : memref<8x128xi32, #tpu.memory_space<vmem>> -> memref<1x128xi32, #tpu.memory_space<vmem>>
      %dma_start3A_152 = tpu.memref_squeeze %dma_start3A_151 : memref<1x128xi32, #tpu.memory_space<vmem>> -> memref<128xi32, #tpu.memory_space<vmem>>
      %dma_start3A_153 = arith.constant 0 : i32
      %dma_start3A_154 = arith.constant 0 : i32
      %dma_start3A_155 = tpu.memref_slice %arg2[%dma_start3A_153, %dma_start3A_154] : memref<10000x128xf32, #tpu.memory_space<hbm>> -> memref<10000x128xf32, #tpu.memory_space<hbm>>
      tpu.enqueue_indirect_dma source(%dma_start3A_155 : memref<10000x128xf32, #tpu.memory_space<hbm>>) target(%arg11 : memref<128x128xf32, #tpu.memory_space<vmem>>) offsets(%dma_start3A_152 : memref<128xi32, #tpu.memory_space<vmem>>) semaphore(%arg13 : memref<!tpu.dma_semaphore, #tpu.memory_space<semaphore_mem>>)
      %dma_wait3A_156 = arith.constant 4 : i32
      %dma_wait3A_157 = arith.constant 0 : i32
      %dma_wait3A_158 = tpu.memref_slice %arg8[%dma_wait3A_156, %dma_wait3A_157] : memref<8x128xi32, #tpu.memory_space<vmem>> -> memref<1x128xi32, #tpu.memory_space<vmem>>
      %dma_wait3A_159 = tpu.memref_squeeze %dma_wait3A_158 : memref<1x128xi32, #tpu.memory_space<vmem>> -> memref<128xi32, #tpu.memory_space<vmem>>
      %dma_wait3A_160 = arith.constant 0 : i32
      %dma_wait3A_161 = arith.constant 0 : i32
      %dma_wait3A_162 = tpu.memref_slice %arg2[%dma_wait3A_160, %dma_wait3A_161] : memref<10000x128xf32, #tpu.memory_space<hbm>> -> memref<10000x128xf32, #tpu.memory_space<hbm>>
      tpu.wait_indirect_dma semaphore(%arg12 : memref<!tpu.dma_semaphore, #tpu.memory_space<semaphore_mem>>) src(%dma_wait3A_162 : memref<10000x128xf32, #tpu.memory_space<hbm>>) dst(%arg10 : memref<128x128xf32, #tpu.memory_space<vmem>>)
      %run_scoped3A_163 = arith.constant 4 : i32
      "tpu.region"() ({
        %run_scoped3A_202 = tpu.sem_alloc : memref<!tpu.dma_semaphore, #tpu.memory_space<semaphore_mem>>
        %dma_start3A_203 = arith.constant 0 : i32
        %dma_start3A_204 = tpu.memref_slice %arg9[%run_scoped3A_163, %dma_start3A_203] : memref<8x128xi32, #tpu.memory_space<vmem>> -> memref<1x128xi32, #tpu.memory_space<vmem>>
        %dma_start3A_205 = tpu.memref_squeeze %dma_start3A_204 : memref<1x128xi32, #tpu.memory_space<vmem>> -> memref<128xi32, #tpu.memory_space<vmem>>
        %dma_start3A_206 = arith.constant 0 : i32
        %dma_start3A_207 = arith.constant 0 : i32
        %dma_start3A_208 = tpu.memref_slice %arg7[%dma_start3A_206, %dma_start3A_207] : memref<10240x128xf32, #tpu.memory_space<vmem_shared>> -> memref<10240x128xf32, #tpu.memory_space<vmem_shared>>
        tpu.enqueue_indirect_dma source(%arg10 : memref<128x128xf32, #tpu.memory_space<vmem>>) target(%dma_start3A_208 : memref<10240x128xf32, #tpu.memory_space<vmem_shared>>) offsets(%dma_start3A_205 : memref<128xi32, #tpu.memory_space<vmem>>) semaphore(%run_scoped3A_202 : memref<!tpu.dma_semaphore, #tpu.memory_space<semaphore_mem>>) {add = true}
        %dma_wait3A_209 = arith.constant 0 : i32
        %dma_wait3A_210 = tpu.memref_slice %arg9[%run_scoped3A_163, %dma_wait3A_209] : memref<8x128xi32, #tpu.memory_space<vmem>> -> memref<1x128xi32, #tpu.memory_space<vmem>>
        %dma_wait3A_211 = tpu.memref_squeeze %dma_wait3A_210 : memref<1x128xi32, #tpu.memory_space<vmem>> -> memref<128xi32, #tpu.memory_space<vmem>>
        %dma_wait3A_212 = arith.constant 0 : i32
        %dma_wait3A_213 = arith.constant 0 : i32
        %dma_wait3A_214 = tpu.memref_slice %arg7[%dma_wait3A_212, %dma_wait3A_213] : memref<10240x128xf32, #tpu.memory_space<vmem_shared>> -> memref<10240x128xf32, #tpu.memory_space<vmem_shared>>
        tpu.wait_indirect_dma semaphore(%run_scoped3A_202 : memref<!tpu.dma_semaphore, #tpu.memory_space<semaphore_mem>>) src(%arg10 : memref<128x128xf32, #tpu.memory_space<vmem>>) dst(%dma_wait3A_214 : memref<10240x128xf32, #tpu.memory_space<vmem_shared>>)
        tpu.yield
      }) : () -> ()
      %dma_start3A_164 = arith.constant 6 : i32
      %dma_start3A_165 = arith.constant 0 : i32
      %dma_start3A_166 = tpu.memref_slice %arg8[%dma_start3A_164, %dma_start3A_165] : memref<8x128xi32, #tpu.memory_space<vmem>> -> memref<1x128xi32, #tpu.memory_space<vmem>>
      %dma_start3A_167 = tpu.memref_squeeze %dma_start3A_166 : memref<1x128xi32, #tpu.memory_space<vmem>> -> memref<128xi32, #tpu.memory_space<vmem>>
      %dma_start3A_168 = arith.constant 0 : i32
      %dma_start3A_169 = arith.constant 0 : i32
      %dma_start3A_170 = tpu.memref_slice %arg2[%dma_start3A_168, %dma_start3A_169] : memref<10000x128xf32, #tpu.memory_space<hbm>> -> memref<10000x128xf32, #tpu.memory_space<hbm>>
      tpu.enqueue_indirect_dma source(%dma_start3A_170 : memref<10000x128xf32, #tpu.memory_space<hbm>>) target(%arg10 : memref<128x128xf32, #tpu.memory_space<vmem>>) offsets(%dma_start3A_167 : memref<128xi32, #tpu.memory_space<vmem>>) semaphore(%arg12 : memref<!tpu.dma_semaphore, #tpu.memory_space<semaphore_mem>>)
      %dma_wait3A_171 = arith.constant 5 : i32
      %dma_wait3A_172 = arith.constant 0 : i32
      %dma_wait3A_173 = tpu.memref_slice %arg8[%dma_wait3A_171, %dma_wait3A_172] : memref<8x128xi32, #tpu.memory_space<vmem>> -> memref<1x128xi32, #tpu.memory_space<vmem>>
      %dma_wait3A_174 = tpu.memref_squeeze %dma_wait3A_173 : memref<1x128xi32, #tpu.memory_space<vmem>> -> memref<128xi32, #tpu.memory_space<vmem>>
      %dma_wait3A_175 = arith.constant 0 : i32
      %dma_wait3A_176 = arith.constant 0 : i32
      %dma_wait3A_177 = tpu.memref_slice %arg2[%dma_wait3A_175, %dma_wait3A_176] : memref<10000x128xf32, #tpu.memory_space<hbm>> -> memref<10000x128xf32, #tpu.memory_space<hbm>>
      tpu.wait_indirect_dma semaphore(%arg13 : memref<!tpu.dma_semaphore, #tpu.memory_space<semaphore_mem>>) src(%dma_wait3A_177 : memref<10000x128xf32, #tpu.memory_space<hbm>>) dst(%arg11 : memref<128x128xf32, #tpu.memory_space<vmem>>)
      %run_scoped3A_178 = arith.constant 5 : i32
      "tpu.region"() ({
        %run_scoped3A_202 = tpu.sem_alloc : memref<!tpu.dma_semaphore, #tpu.memory_space<semaphore_mem>>
        %dma_start3A_203 = arith.constant 0 : i32
        %dma_start3A_204 = tpu.memref_slice %arg9[%run_scoped3A_178, %dma_start3A_203] : memref<8x128xi32, #tpu.memory_space<vmem>> -> memref<1x128xi32, #tpu.memory_space<vmem>>
        %dma_start3A_205 = tpu.memref_squeeze %dma_start3A_204 : memref<1x128xi32, #tpu.memory_space<vmem>> -> memref<128xi32, #tpu.memory_space<vmem>>
        %dma_start3A_206 = arith.constant 0 : i32
        %dma_start3A_207 = arith.constant 0 : i32
        %dma_start3A_208 = tpu.memref_slice %arg7[%dma_start3A_206, %dma_start3A_207] : memref<10240x128xf32, #tpu.memory_space<vmem_shared>> -> memref<10240x128xf32, #tpu.memory_space<vmem_shared>>
        tpu.enqueue_indirect_dma source(%arg11 : memref<128x128xf32, #tpu.memory_space<vmem>>) target(%dma_start3A_208 : memref<10240x128xf32, #tpu.memory_space<vmem_shared>>) offsets(%dma_start3A_205 : memref<128xi32, #tpu.memory_space<vmem>>) semaphore(%run_scoped3A_202 : memref<!tpu.dma_semaphore, #tpu.memory_space<semaphore_mem>>) {add = true}
        %dma_wait3A_209 = arith.constant 0 : i32
        %dma_wait3A_210 = tpu.memref_slice %arg9[%run_scoped3A_178, %dma_wait3A_209] : memref<8x128xi32, #tpu.memory_space<vmem>> -> memref<1x128xi32, #tpu.memory_space<vmem>>
        %dma_wait3A_211 = tpu.memref_squeeze %dma_wait3A_210 : memref<1x128xi32, #tpu.memory_space<vmem>> -> memref<128xi32, #tpu.memory_space<vmem>>
        %dma_wait3A_212 = arith.constant 0 : i32
        %dma_wait3A_213 = arith.constant 0 : i32
        %dma_wait3A_214 = tpu.memref_slice %arg7[%dma_wait3A_212, %dma_wait3A_213] : memref<10240x128xf32, #tpu.memory_space<vmem_shared>> -> memref<10240x128xf32, #tpu.memory_space<vmem_shared>>
        tpu.wait_indirect_dma semaphore(%run_scoped3A_202 : memref<!tpu.dma_semaphore, #tpu.memory_space<semaphore_mem>>) src(%arg11 : memref<128x128xf32, #tpu.memory_space<vmem>>) dst(%dma_wait3A_214 : memref<10240x128xf32, #tpu.memory_space<vmem_shared>>)
        tpu.yield
      }) : () -> ()
      %dma_start3A_179 = arith.constant 7 : i32
      %dma_start3A_180 = arith.constant 0 : i32
      %dma_start3A_181 = tpu.memref_slice %arg8[%dma_start3A_179, %dma_start3A_180] : memref<8x128xi32, #tpu.memory_space<vmem>> -> memref<1x128xi32, #tpu.memory_space<vmem>>
      %dma_start3A_182 = tpu.memref_squeeze %dma_start3A_181 : memref<1x128xi32, #tpu.memory_space<vmem>> -> memref<128xi32, #tpu.memory_space<vmem>>
      %dma_start3A_183 = arith.constant 0 : i32
      %dma_start3A_184 = arith.constant 0 : i32
      %dma_start3A_185 = tpu.memref_slice %arg2[%dma_start3A_183, %dma_start3A_184] : memref<10000x128xf32, #tpu.memory_space<hbm>> -> memref<10000x128xf32, #tpu.memory_space<hbm>>
      tpu.enqueue_indirect_dma source(%dma_start3A_185 : memref<10000x128xf32, #tpu.memory_space<hbm>>) target(%arg11 : memref<128x128xf32, #tpu.memory_space<vmem>>) offsets(%dma_start3A_182 : memref<128xi32, #tpu.memory_space<vmem>>) semaphore(%arg13 : memref<!tpu.dma_semaphore, #tpu.memory_space<semaphore_mem>>)
      %dma_wait3A_186 = arith.constant 6 : i32
      %dma_wait3A_187 = arith.constant 0 : i32
      %dma_wait3A_188 = tpu.memref_slice %arg8[%dma_wait3A_186, %dma_wait3A_187] : memref<8x128xi32, #tpu.memory_space<vmem>> -> memref<1x128xi32, #tpu.memory_space<vmem>>
      %dma_wait3A_189 = tpu.memref_squeeze %dma_wait3A_188 : memref<1x128xi32, #tpu.memory_space<vmem>> -> memref<128xi32, #tpu.memory_space<vmem>>
      %dma_wait3A_190 = arith.constant 0 : i32
      %dma_wait3A_191 = arith.constant 0 : i32
      %dma_wait3A_192 = tpu.memref_slice %arg2[%dma_wait3A_190, %dma_wait3A_191] : memref<10000x128xf32, #tpu.memory_space<hbm>> -> memref<10000x128xf32, #tpu.memory_space<hbm>>
      tpu.wait_indirect_dma semaphore(%arg12 : memref<!tpu.dma_semaphore, #tpu.memory_space<semaphore_mem>>) src(%dma_wait3A_192 : memref<10000x128xf32, #tpu.memory_space<hbm>>) dst(%arg10 : memref<128x128xf32, #tpu.memory_space<vmem>>)
      %run_scoped3A_193 = arith.constant 6 : i32
      "tpu.region"() ({
        %run_scoped3A_202 = tpu.sem_alloc : memref<!tpu.dma_semaphore, #tpu.memory_space<semaphore_mem>>
        %dma_start3A_203 = arith.constant 0 : i32
        %dma_start3A_204 = tpu.memref_slice %arg9[%run_scoped3A_193, %dma_start3A_203] : memref<8x128xi32, #tpu.memory_space<vmem>> -> memref<1x128xi32, #tpu.memory_space<vmem>>
        %dma_start3A_205 = tpu.memref_squeeze %dma_start3A_204 : memref<1x128xi32, #tpu.memory_space<vmem>> -> memref<128xi32, #tpu.memory_space<vmem>>
        %dma_start3A_206 = arith.constant 0 : i32
        %dma_start3A_207 = arith.constant 0 : i32
        %dma_start3A_208 = tpu.memref_slice %arg7[%dma_start3A_206, %dma_start3A_207] : memref<10240x128xf32, #tpu.memory_space<vmem_shared>> -> memref<10240x128xf32, #tpu.memory_space<vmem_shared>>
        tpu.enqueue_indirect_dma source(%arg10 : memref<128x128xf32, #tpu.memory_space<vmem>>) target(%dma_start3A_208 : memref<10240x128xf32, #tpu.memory_space<vmem_shared>>) offsets(%dma_start3A_205 : memref<128xi32, #tpu.memory_space<vmem>>) semaphore(%run_scoped3A_202 : memref<!tpu.dma_semaphore, #tpu.memory_space<semaphore_mem>>) {add = true}
        %dma_wait3A_209 = arith.constant 0 : i32
        %dma_wait3A_210 = tpu.memref_slice %arg9[%run_scoped3A_193, %dma_wait3A_209] : memref<8x128xi32, #tpu.memory_space<vmem>> -> memref<1x128xi32, #tpu.memory_space<vmem>>
        %dma_wait3A_211 = tpu.memref_squeeze %dma_wait3A_210 : memref<1x128xi32, #tpu.memory_space<vmem>> -> memref<128xi32, #tpu.memory_space<vmem>>
        %dma_wait3A_212 = arith.constant 0 : i32
        %dma_wait3A_213 = arith.constant 0 : i32
        %dma_wait3A_214 = tpu.memref_slice %arg7[%dma_wait3A_212, %dma_wait3A_213] : memref<10240x128xf32, #tpu.memory_space<vmem_shared>> -> memref<10240x128xf32, #tpu.memory_space<vmem_shared>>
        tpu.wait_indirect_dma semaphore(%run_scoped3A_202 : memref<!tpu.dma_semaphore, #tpu.memory_space<semaphore_mem>>) src(%arg10 : memref<128x128xf32, #tpu.memory_space<vmem>>) dst(%dma_wait3A_214 : memref<10240x128xf32, #tpu.memory_space<vmem_shared>>)
        tpu.yield
      }) : () -> ()
      %dma_wait3A_194 = arith.constant 7 : i32
      %dma_wait3A_195 = arith.constant 0 : i32
      %dma_wait3A_196 = tpu.memref_slice %arg8[%dma_wait3A_194, %dma_wait3A_195] : memref<8x128xi32, #tpu.memory_space<vmem>> -> memref<1x128xi32, #tpu.memory_space<vmem>>
      %dma_wait3A_197 = tpu.memref_squeeze %dma_wait3A_196 : memref<1x128xi32, #tpu.memory_space<vmem>> -> memref<128xi32, #tpu.memory_space<vmem>>
      %dma_wait3A_198 = arith.constant 0 : i32
      %dma_wait3A_199 = arith.constant 0 : i32
      %dma_wait3A_200 = tpu.memref_slice %arg2[%dma_wait3A_198, %dma_wait3A_199] : memref<10000x128xf32, #tpu.memory_space<hbm>> -> memref<10000x128xf32, #tpu.memory_space<hbm>>
      tpu.wait_indirect_dma semaphore(%arg13 : memref<!tpu.dma_semaphore, #tpu.memory_space<semaphore_mem>>) src(%dma_wait3A_200 : memref<10000x128xf32, #tpu.memory_space<hbm>>) dst(%arg11 : memref<128x128xf32, #tpu.memory_space<vmem>>)
      %run_scoped3A_201 = arith.constant 7 : i32
      "tpu.region"() ({
        %run_scoped3A_202 = tpu.sem_alloc : memref<!tpu.dma_semaphore, #tpu.memory_space<semaphore_mem>>
        %dma_start3A_203 = arith.constant 0 : i32
        %dma_start3A_204 = tpu.memref_slice %arg9[%run_scoped3A_201, %dma_start3A_203] : memref<8x128xi32, #tpu.memory_space<vmem>> -> memref<1x128xi32, #tpu.memory_space<vmem>>
        %dma_start3A_205 = tpu.memref_squeeze %dma_start3A_204 : memref<1x128xi32, #tpu.memory_space<vmem>> -> memref<128xi32, #tpu.memory_space<vmem>>
        %dma_start3A_206 = arith.constant 0 : i32
        %dma_start3A_207 = arith.constant 0 : i32
        %dma_start3A_208 = tpu.memref_slice %arg7[%dma_start3A_206, %dma_start3A_207] : memref<10240x128xf32, #tpu.memory_space<vmem_shared>> -> memref<10240x128xf32, #tpu.memory_space<vmem_shared>>
        tpu.enqueue_indirect_dma source(%arg11 : memref<128x128xf32, #tpu.memory_space<vmem>>) target(%dma_start3A_208 : memref<10240x128xf32, #tpu.memory_space<vmem_shared>>) offsets(%dma_start3A_205 : memref<128xi32, #tpu.memory_space<vmem>>) semaphore(%run_scoped3A_202 : memref<!tpu.dma_semaphore, #tpu.memory_space<semaphore_mem>>) {add = true}
        %dma_wait3A_209 = arith.constant 0 : i32
        %dma_wait3A_210 = tpu.memref_slice %arg9[%run_scoped3A_201, %dma_wait3A_209] : memref<8x128xi32, #tpu.memory_space<vmem>> -> memref<1x128xi32, #tpu.memory_space<vmem>>
        %dma_wait3A_211 = tpu.memref_squeeze %dma_wait3A_210 : memref<1x128xi32, #tpu.memory_space<vmem>> -> memref<128xi32, #tpu.memory_space<vmem>>
        %dma_wait3A_212 = arith.constant 0 : i32
        %dma_wait3A_213 = arith.constant 0 : i32
        %dma_wait3A_214 = tpu.memref_slice %arg7[%dma_wait3A_212, %dma_wait3A_213] : memref<10240x128xf32, #tpu.memory_space<vmem_shared>> -> memref<10240x128xf32, #tpu.memory_space<vmem_shared>>
        tpu.wait_indirect_dma semaphore(%run_scoped3A_202 : memref<!tpu.dma_semaphore, #tpu.memory_space<semaphore_mem>>) src(%arg11 : memref<128x128xf32, #tpu.memory_space<vmem>>) dst(%dma_wait3A_214 : memref<10240x128xf32, #tpu.memory_space<vmem_shared>>)
        tpu.yield
      }) : () -> ()
    }
    %scan3A_40 = arith.constant 10 : i32
    %barrier3A_41 = arith.constant 0 : index
    tpu.barrier barrier_id(%barrier3A_41)
    "tpu.region"() ({
      %run_scoped3A = tpu.sem_alloc : memref<!tpu.dma_semaphore, #tpu.memory_space<semaphore_mem>>
      %dma_start3A = arith.constant 0 : i32
      %dma_start3A_73 = tpu.memref_slice %arg5[%arg0, %mul3A_2, %dma_start3A] : memref<2x10240x128xf32, #tpu.memory_space<hbm>> -> memref<1x640x128xf32, #tpu.memory_space<hbm>>
      %dma_start3A_74 = tpu.memref_squeeze %dma_start3A_73 : memref<1x640x128xf32, #tpu.memory_space<hbm>> -> memref<640x128xf32, #tpu.memory_space<hbm>>
      %dma_start3A_75 = arith.constant 0 : i32
      %dma_start3A_76 = tpu.memref_slice %arg7[%mul3A_2, %dma_start3A_75] : memref<10240x128xf32, #tpu.memory_space<vmem_shared>> -> memref<640x128xf32, #tpu.memory_space<vmem_shared>>
      tpu.enqueue_dma source(%dma_start3A_76 : memref<640x128xf32, #tpu.memory_space<vmem_shared>>) target(%dma_start3A_74 : memref<640x128xf32, #tpu.memory_space<hbm>>) target_semaphore(%run_scoped3A : memref<!tpu.dma_semaphore, #tpu.memory_space<semaphore_mem>>)
      %dma_wait3A = arith.constant 0 : i32
      %dma_wait3A_77 = tpu.memref_slice %arg5[%arg0, %mul3A_2, %dma_wait3A] : memref<2x10240x128xf32, #tpu.memory_space<hbm>> -> memref<1x640x128xf32, #tpu.memory_space<hbm>>
      %dma_wait3A_78 = tpu.memref_squeeze %dma_wait3A_77 : memref<1x640x128xf32, #tpu.memory_space<hbm>> -> memref<640x128xf32, #tpu.memory_space<hbm>>
      %dma_wait3A_79 = arith.constant 0 : i32
      %dma_wait3A_80 = tpu.memref_slice %arg7[%mul3A_2, %dma_wait3A_79] : memref<10240x128xf32, #tpu.memory_space<vmem_shared>> -> memref<640x128xf32, #tpu.memory_space<vmem_shared>>
      tpu.wait_dma2 semaphore(%run_scoped3A : memref<!tpu.dma_semaphore, #tpu.memory_space<semaphore_mem>>) src(%dma_wait3A_80 : memref<640x128xf32, #tpu.memory_space<vmem_shared>>) dst(%dma_wait3A_78 : memref<640x128xf32, #tpu.memory_space<hbm>>)
      tpu.yield
    }) : () -> ()
    %barrier3A_42 = arith.constant 0 : index
    tpu.barrier barrier_id(%barrier3A_42)
    %scan3A_43 = arith.constant 0 : i32
    %scan3A_44 = arith.constant 0 : i32
    %scan3A_45 = arith.constant 128 : i32
    %scan3A_46 = arith.addi %scan3A_44, %scan3A_45 : i32
    %scan3A_47 = arith.constant 1 : i32
    scf.for %scan3A_73 = %scan3A_44 to %scan3A_46 step %scan3A_47  : i32 {
      %swap3A = arith.index_cast %scan3A_73 : i32 to index
      %swap3A_74 = arith.constant 0 : index
      %swap3A_75 = tpu.vector_load %arg10[%swap3A, %swap3A_74] {strides = array<i32>} : memref<128x128xf32, #tpu.memory_space<vmem>>, vector<1x16xf32>,
      %swap3A_76 = vector.shape_cast %swap3A_75 : vector<1x16xf32> to vector<16xf32>
      %swap3A_77 = vector.shape_cast %select_n3A : vector<16xf32> to vector<1x16xf32>
      tpu.vector_store %arg10[%swap3A, %swap3A_74], %swap3A_77 {strides = array<i32>} : memref<128x128xf32, #tpu.memory_space<vmem>>, vector<1x16xf32>,
      %swap3A_78 = arith.index_cast %scan3A_73 : i32 to index
      %swap3A_79 = arith.constant 16 : index
      %swap3A_80 = tpu.vector_load %arg10[%swap3A_78, %swap3A_79] {strides = array<i32>} : memref<128x128xf32, #tpu.memory_space<vmem>>, vector<1x16xf32>,
      %swap3A_81 = vector.shape_cast %swap3A_80 : vector<1x16xf32> to vector<16xf32>
      %swap3A_82 = vector.shape_cast %select_n3A : vector<16xf32> to vector<1x16xf32>
      tpu.vector_store %arg10[%swap3A_78, %swap3A_79], %swap3A_82 {strides = array<i32>} : memref<128x128xf32, #tpu.memory_space<vmem>>, vector<1x16xf32>,
      %swap3A_83 = arith.index_cast %scan3A_73 : i32 to index
      %swap3A_84 = arith.constant 32 : index
      %swap3A_85 = tpu.vector_load %arg10[%swap3A_83, %swap3A_84] {strides = array<i32>} : memref<128x128xf32, #tpu.memory_space<vmem>>, vector<1x16xf32>,
      %swap3A_86 = vector.shape_cast %swap3A_85 : vector<1x16xf32> to vector<16xf32>
      %swap3A_87 = vector.shape_cast %select_n3A : vector<16xf32> to vector<1x16xf32>
      tpu.vector_store %arg10[%swap3A_83, %swap3A_84], %swap3A_87 {strides = array<i32>} : memref<128x128xf32, #tpu.memory_space<vmem>>, vector<1x16xf32>,
      %swap3A_88 = arith.index_cast %scan3A_73 : i32 to index
      %swap3A_89 = arith.constant 48 : index
      %swap3A_90 = tpu.vector_load %arg10[%swap3A_88, %swap3A_89] {strides = array<i32>} : memref<128x128xf32, #tpu.memory_space<vmem>>, vector<1x16xf32>,
      %swap3A_91 = vector.shape_cast %swap3A_90 : vector<1x16xf32> to vector<16xf32>
      %swap3A_92 = vector.shape_cast %select_n3A : vector<16xf32> to vector<1x16xf32>
      tpu.vector_store %arg10[%swap3A_88, %swap3A_89], %swap3A_92 {strides = array<i32>} : memref<128x128xf32, #tpu.memory_space<vmem>>, vector<1x16xf32>,
      %swap3A_93 = arith.index_cast %scan3A_73 : i32 to index
      %swap3A_94 = arith.constant 64 : index
      %swap3A_95 = tpu.vector_load %arg10[%swap3A_93, %swap3A_94] {strides = array<i32>} : memref<128x128xf32, #tpu.memory_space<vmem>>, vector<1x16xf32>,
      %swap3A_96 = vector.shape_cast %swap3A_95 : vector<1x16xf32> to vector<16xf32>
      %swap3A_97 = vector.shape_cast %select_n3A : vector<16xf32> to vector<1x16xf32>
      tpu.vector_store %arg10[%swap3A_93, %swap3A_94], %swap3A_97 {strides = array<i32>} : memref<128x128xf32, #tpu.memory_space<vmem>>, vector<1x16xf32>,
      %swap3A_98 = arith.index_cast %scan3A_73 : i32 to index
      %swap3A_99 = arith.constant 80 : index
      %swap3A_100 = tpu.vector_load %arg10[%swap3A_98, %swap3A_99] {strides = array<i32>} : memref<128x128xf32, #tpu.memory_space<vmem>>, vector<1x16xf32>,
      %swap3A_101 = vector.shape_cast %swap3A_100 : vector<1x16xf32> to vector<16xf32>
      %swap3A_102 = vector.shape_cast %select_n3A : vector<16xf32> to vector<1x16xf32>
      tpu.vector_store %arg10[%swap3A_98, %swap3A_99], %swap3A_102 {strides = array<i32>} : memref<128x128xf32, #tpu.memory_space<vmem>>, vector<1x16xf32>,
      %swap3A_103 = arith.index_cast %scan3A_73 : i32 to index
      %swap3A_104 = arith.constant 96 : index
      %swap3A_105 = tpu.vector_load %arg10[%swap3A_103, %swap3A_104] {strides = array<i32>} : memref<128x128xf32, #tpu.memory_space<vmem>>, vector<1x16xf32>,
      %swap3A_106 = vector.shape_cast %swap3A_105 : vector<1x16xf32> to vector<16xf32>
      %swap3A_107 = vector.shape_cast %select_n3A : vector<16xf32> to vector<1x16xf32>
      tpu.vector_store %arg10[%swap3A_103, %swap3A_104], %swap3A_107 {strides = array<i32>} : memref<128x128xf32, #tpu.memory_space<vmem>>, vector<1x16xf32>,
      %swap3A_108 = arith.index_cast %scan3A_73 : i32 to index
      %swap3A_109 = arith.constant 112 : index
      %swap3A_110 = tpu.vector_load %arg10[%swap3A_108, %swap3A_109] {strides = array<i32>} : memref<128x128xf32, #tpu.memory_space<vmem>>, vector<1x16xf32>,
      %swap3A_111 = vector.shape_cast %swap3A_110 : vector<1x16xf32> to vector<16xf32>
      %swap3A_112 = vector.shape_cast %select_n3A : vector<16xf32> to vector<1x16xf32>
      tpu.vector_store %arg10[%swap3A_108, %swap3A_109], %swap3A_112 {strides = array<i32>} : memref<128x128xf32, #tpu.memory_space<vmem>>, vector<1x16xf32>,
    }
    %scan3A_48 = arith.constant 128 : i32
    %add3A_49 = arith.constant 0 : i32
    %add3A_50 = arith.addi %mul3A_2, %add3A_49 : i32
    "tpu.region"() ({
      %run_scoped3A = tpu.sem_alloc : memref<!tpu.dma_semaphore, #tpu.memory_space<semaphore_mem>>
      %dma_start3A = arith.constant 0 : i32
      %dma_start3A_73 = tpu.memref_slice %arg7[%add3A_50, %dma_start3A] : memref<10240x128xf32, #tpu.memory_space<vmem_shared>> -> memref<128x128xf32, #tpu.memory_space<vmem_shared>>
      %dma_start3A_74 = arith.constant 0 : i32
      %dma_start3A_75 = tpu.memref_slice %arg7[%add3A_50, %dma_start3A_74] : memref<10240x128xf32, #tpu.memory_space<vmem_shared>> -> memref<128x128xf32, #tpu.memory_space<vmem_shared>>
      tpu.enqueue_dma source(%arg10 : memref<128x128xf32, #tpu.memory_space<vmem>>) target(%dma_start3A_75 : memref<128x128xf32, #tpu.memory_space<vmem_shared>>) target_semaphore(%run_scoped3A : memref<!tpu.dma_semaphore, #tpu.memory_space<semaphore_mem>>)
      %dma_wait3A = arith.constant 0 : i32
      %dma_wait3A_76 = tpu.memref_slice %arg7[%add3A_50, %dma_wait3A] : memref<10240x128xf32, #tpu.memory_space<vmem_shared>> -> memref<128x128xf32, #tpu.memory_space<vmem_shared>>
      %dma_wait3A_77 = arith.constant 0 : i32
      %dma_wait3A_78 = tpu.memref_slice %arg7[%add3A_50, %dma_wait3A_77] : memref<10240x128xf32, #tpu.memory_space<vmem_shared>> -> memref<128x128xf32, #tpu.memory_space<vmem_shared>>
      tpu.wait_dma2 semaphore(%run_scoped3A : memref<!tpu.dma_semaphore, #tpu.memory_space<semaphore_mem>>) src(%arg10 : memref<128x128xf32, #tpu.memory_space<vmem>>) dst(%dma_wait3A_78 : memref<128x128xf32, #tpu.memory_space<vmem_shared>>)
      tpu.yield
    }) : () -> ()
    %add3A_51 = arith.constant 128 : i32
    %add3A_52 = arith.addi %mul3A_2, %add3A_51 : i32
    "tpu.region"() ({
      %run_scoped3A = tpu.sem_alloc : memref<!tpu.dma_semaphore, #tpu.memory_space<semaphore_mem>>
      %dma_start3A = arith.constant 0 : i32
      %dma_start3A_73 = tpu.memref_slice %arg7[%add3A_52, %dma_start3A] : memref<10240x128xf32, #tpu.memory_space<vmem_shared>> -> memref<128x128xf32, #tpu.memory_space<vmem_shared>>
      %dma_start3A_74 = arith.constant 0 : i32
      %dma_start3A_75 = tpu.memref_slice %arg7[%add3A_52, %dma_start3A_74] : memref<10240x128xf32, #tpu.memory_space<vmem_shared>> -> memref<128x128xf32, #tpu.memory_space<vmem_shared>>
      tpu.enqueue_dma source(%arg10 : memref<128x128xf32, #tpu.memory_space<vmem>>) target(%dma_start3A_75 : memref<128x128xf32, #tpu.memory_space<vmem_shared>>) target_semaphore(%run_scoped3A : memref<!tpu.dma_semaphore, #tpu.memory_space<semaphore_mem>>)
      %dma_wait3A = arith.constant 0 : i32
      %dma_wait3A_76 = tpu.memref_slice %arg7[%add3A_52, %dma_wait3A] : memref<10240x128xf32, #tpu.memory_space<vmem_shared>> -> memref<128x128xf32, #tpu.memory_space<vmem_shared>>
      %dma_wait3A_77 = arith.constant 0 : i32
      %dma_wait3A_78 = tpu.memref_slice %arg7[%add3A_52, %dma_wait3A_77] : memref<10240x128xf32, #tpu.memory_space<vmem_shared>> -> memref<128x128xf32, #tpu.memory_space<vmem_shared>>
      tpu.wait_dma2 semaphore(%run_scoped3A : memref<!tpu.dma_semaphore, #tpu.memory_space<semaphore_mem>>) src(%arg10 : memref<128x128xf32, #tpu.memory_space<vmem>>) dst(%dma_wait3A_78 : memref<128x128xf32, #tpu.memory_space<vmem_shared>>)
      tpu.yield
    }) : () -> ()
    %add3A_53 = arith.constant 256 : i32
    %add3A_54 = arith.addi %mul3A_2, %add3A_53 : i32
    "tpu.region"() ({
      %run_scoped3A = tpu.sem_alloc : memref<!tpu.dma_semaphore, #tpu.memory_space<semaphore_mem>>
      %dma_start3A = arith.constant 0 : i32
      %dma_start3A_73 = tpu.memref_slice %arg7[%add3A_54, %dma_start3A] : memref<10240x128xf32, #tpu.memory_space<vmem_shared>> -> memref<128x128xf32, #tpu.memory_space<vmem_shared>>
      %dma_start3A_74 = arith.constant 0 : i32
      %dma_start3A_75 = tpu.memref_slice %arg7[%add3A_54, %dma_start3A_74] : memref<10240x128xf32, #tpu.memory_space<vmem_shared>> -> memref<128x128xf32, #tpu.memory_space<vmem_shared>>
      tpu.enqueue_dma source(%arg10 : memref<128x128xf32, #tpu.memory_space<vmem>>) target(%dma_start3A_75 : memref<128x128xf32, #tpu.memory_space<vmem_shared>>) target_semaphore(%run_scoped3A : memref<!tpu.dma_semaphore, #tpu.memory_space<semaphore_mem>>)
      %dma_wait3A = arith.constant 0 : i32
      %dma_wait3A_76 = tpu.memref_slice %arg7[%add3A_54, %dma_wait3A] : memref<10240x128xf32, #tpu.memory_space<vmem_shared>> -> memref<128x128xf32, #tpu.memory_space<vmem_shared>>
      %dma_wait3A_77 = arith.constant 0 : i32
      %dma_wait3A_78 = tpu.memref_slice %arg7[%add3A_54, %dma_wait3A_77] : memref<10240x128xf32, #tpu.memory_space<vmem_shared>> -> memref<128x128xf32, #tpu.memory_space<vmem_shared>>
      tpu.wait_dma2 semaphore(%run_scoped3A : memref<!tpu.dma_semaphore, #tpu.memory_space<semaphore_mem>>) src(%arg10 : memref<128x128xf32, #tpu.memory_space<vmem>>) dst(%dma_wait3A_78 : memref<128x128xf32, #tpu.memory_space<vmem_shared>>)
      tpu.yield
    }) : () -> ()
    %add3A_55 = arith.constant 384 : i32
    %add3A_56 = arith.addi %mul3A_2, %add3A_55 : i32
    "tpu.region"() ({
      %run_scoped3A = tpu.sem_alloc : memref<!tpu.dma_semaphore, #tpu.memory_space<semaphore_mem>>
      %dma_start3A = arith.constant 0 : i32
      %dma_start3A_73 = tpu.memref_slice %arg7[%add3A_56, %dma_start3A] : memref<10240x128xf32, #tpu.memory_space<vmem_shared>> -> memref<128x128xf32, #tpu.memory_space<vmem_shared>>
      %dma_start3A_74 = arith.constant 0 : i32
      %dma_start3A_75 = tpu.memref_slice %arg7[%add3A_56, %dma_start3A_74] : memref<10240x128xf32, #tpu.memory_space<vmem_shared>> -> memref<128x128xf32, #tpu.memory_space<vmem_shared>>
      tpu.enqueue_dma source(%arg10 : memref<128x128xf32, #tpu.memory_space<vmem>>) target(%dma_start3A_75 : memref<128x128xf32, #tpu.memory_space<vmem_shared>>) target_semaphore(%run_scoped3A : memref<!tpu.dma_semaphore, #tpu.memory_space<semaphore_mem>>)
      %dma_wait3A = arith.constant 0 : i32
      %dma_wait3A_76 = tpu.memref_slice %arg7[%add3A_56, %dma_wait3A] : memref<10240x128xf32, #tpu.memory_space<vmem_shared>> -> memref<128x128xf32, #tpu.memory_space<vmem_shared>>
      %dma_wait3A_77 = arith.constant 0 : i32
      %dma_wait3A_78 = tpu.memref_slice %arg7[%add3A_56, %dma_wait3A_77] : memref<10240x128xf32, #tpu.memory_space<vmem_shared>> -> memref<128x128xf32, #tpu.memory_space<vmem_shared>>
      tpu.wait_dma2 semaphore(%run_scoped3A : memref<!tpu.dma_semaphore, #tpu.memory_space<semaphore_mem>>) src(%arg10 : memref<128x128xf32, #tpu.memory_space<vmem>>) dst(%dma_wait3A_78 : memref<128x128xf32, #tpu.memory_space<vmem_shared>>)
      tpu.yield
    }) : () -> ()
    %add3A_57 = arith.constant 512 : i32
    %add3A_58 = arith.addi %mul3A_2, %add3A_57 : i32
    "tpu.region"() ({
      %run_scoped3A = tpu.sem_alloc : memref<!tpu.dma_semaphore, #tpu.memory_space<semaphore_mem>>
      %dma_start3A = arith.constant 0 : i32
      %dma_start3A_73 = tpu.memref_slice %arg7[%add3A_58, %dma_start3A] : memref<10240x128xf32, #tpu.memory_space<vmem_shared>> -> memref<128x128xf32, #tpu.memory_space<vmem_shared>>
      %dma_start3A_74 = arith.constant 0 : i32
      %dma_start3A_75 = tpu.memref_slice %arg7[%add3A_58, %dma_start3A_74] : memref<10240x128xf32, #tpu.memory_space<vmem_shared>> -> memref<128x128xf32, #tpu.memory_space<vmem_shared>>
      tpu.enqueue_dma source(%arg10 : memref<128x128xf32, #tpu.memory_space<vmem>>) target(%dma_start3A_75 : memref<128x128xf32, #tpu.memory_space<vmem_shared>>) target_semaphore(%run_scoped3A : memref<!tpu.dma_semaphore, #tpu.memory_space<semaphore_mem>>)
      %dma_wait3A = arith.constant 0 : i32
      %dma_wait3A_76 = tpu.memref_slice %arg7[%add3A_58, %dma_wait3A] : memref<10240x128xf32, #tpu.memory_space<vmem_shared>> -> memref<128x128xf32, #tpu.memory_space<vmem_shared>>
      %dma_wait3A_77 = arith.constant 0 : i32
      %dma_wait3A_78 = tpu.memref_slice %arg7[%add3A_58, %dma_wait3A_77] : memref<10240x128xf32, #tpu.memory_space<vmem_shared>> -> memref<128x128xf32, #tpu.memory_space<vmem_shared>>
      tpu.wait_dma2 semaphore(%run_scoped3A : memref<!tpu.dma_semaphore, #tpu.memory_space<semaphore_mem>>) src(%arg10 : memref<128x128xf32, #tpu.memory_space<vmem>>) dst(%dma_wait3A_78 : memref<128x128xf32, #tpu.memory_space<vmem_shared>>)
      tpu.yield
    }) : () -> ()
    %barrier3A_59 = arith.constant 0 : index
    tpu.barrier barrier_id(%barrier3A_59)
    %scan3A_60 = arith.constant 0 : i32
    %scan3A_61 = arith.constant 0 : i32
    %scan3A_62 = arith.constant 128 : i32
    %scan3A_63 = arith.addi %scan3A_61, %scan3A_62 : i32
    %scan3A_64 = arith.constant 1 : i32
    scf.for %scan3A_73 = %scan3A_61 to %scan3A_63 step %scan3A_64  : i32 {
      %swap3A = arith.index_cast %scan3A_73 : i32 to index
      %swap3A_74 = arith.constant 0 : index
      %swap3A_75 = tpu.vector_load %arg10[%swap3A, %swap3A_74] {strides = array<i32>} : memref<128x128xf32, #tpu.memory_space<vmem>>, vector<1x16xf32>,
      %swap3A_76 = vector.shape_cast %swap3A_75 : vector<1x16xf32> to vector<16xf32>
      %swap3A_77 = vector.shape_cast %select_n3A_13 : vector<16xf32> to vector<1x16xf32>
      tpu.vector_store %arg10[%swap3A, %swap3A_74], %swap3A_77 {strides = array<i32>} : memref<128x128xf32, #tpu.memory_space<vmem>>, vector<1x16xf32>,
      %swap3A_78 = arith.index_cast %scan3A_73 : i32 to index
      %swap3A_79 = arith.constant 16 : index
      %swap3A_80 = tpu.vector_load %arg10[%swap3A_78, %swap3A_79] {strides = array<i32>} : memref<128x128xf32, #tpu.memory_space<vmem>>, vector<1x16xf32>,
      %swap3A_81 = vector.shape_cast %swap3A_80 : vector<1x16xf32> to vector<16xf32>
      %swap3A_82 = vector.shape_cast %select_n3A_13 : vector<16xf32> to vector<1x16xf32>
      tpu.vector_store %arg10[%swap3A_78, %swap3A_79], %swap3A_82 {strides = array<i32>} : memref<128x128xf32, #tpu.memory_space<vmem>>, vector<1x16xf32>,
      %swap3A_83 = arith.index_cast %scan3A_73 : i32 to index
      %swap3A_84 = arith.constant 32 : index
      %swap3A_85 = tpu.vector_load %arg10[%swap3A_83, %swap3A_84] {strides = array<i32>} : memref<128x128xf32, #tpu.memory_space<vmem>>, vector<1x16xf32>,
      %swap3A_86 = vector.shape_cast %swap3A_85 : vector<1x16xf32> to vector<16xf32>
      %swap3A_87 = vector.shape_cast %select_n3A_13 : vector<16xf32> to vector<1x16xf32>
      tpu.vector_store %arg10[%swap3A_83, %swap3A_84], %swap3A_87 {strides = array<i32>} : memref<128x128xf32, #tpu.memory_space<vmem>>, vector<1x16xf32>,
      %swap3A_88 = arith.index_cast %scan3A_73 : i32 to index
      %swap3A_89 = arith.constant 48 : index
      %swap3A_90 = tpu.vector_load %arg10[%swap3A_88, %swap3A_89] {strides = array<i32>} : memref<128x128xf32, #tpu.memory_space<vmem>>, vector<1x16xf32>,
      %swap3A_91 = vector.shape_cast %swap3A_90 : vector<1x16xf32> to vector<16xf32>
      %swap3A_92 = vector.shape_cast %select_n3A_13 : vector<16xf32> to vector<1x16xf32>
      tpu.vector_store %arg10[%swap3A_88, %swap3A_89], %swap3A_92 {strides = array<i32>} : memref<128x128xf32, #tpu.memory_space<vmem>>, vector<1x16xf32>,
      %swap3A_93 = arith.index_cast %scan3A_73 : i32 to index
      %swap3A_94 = arith.constant 64 : index
      %swap3A_95 = tpu.vector_load %arg10[%swap3A_93, %swap3A_94] {strides = array<i32>} : memref<128x128xf32, #tpu.memory_space<vmem>>, vector<1x16xf32>,
      %swap3A_96 = vector.shape_cast %swap3A_95 : vector<1x16xf32> to vector<16xf32>
      %swap3A_97 = vector.shape_cast %select_n3A_13 : vector<16xf32> to vector<1x16xf32>
      tpu.vector_store %arg10[%swap3A_93, %swap3A_94], %swap3A_97 {strides = array<i32>} : memref<128x128xf32, #tpu.memory_space<vmem>>, vector<1x16xf32>,
      %swap3A_98 = arith.index_cast %scan3A_73 : i32 to index
      %swap3A_99 = arith.constant 80 : index
      %swap3A_100 = tpu.vector_load %arg10[%swap3A_98, %swap3A_99] {strides = array<i32>} : memref<128x128xf32, #tpu.memory_space<vmem>>, vector<1x16xf32>,
      %swap3A_101 = vector.shape_cast %swap3A_100 : vector<1x16xf32> to vector<16xf32>
      %swap3A_102 = vector.shape_cast %select_n3A_13 : vector<16xf32> to vector<1x16xf32>
      tpu.vector_store %arg10[%swap3A_98, %swap3A_99], %swap3A_102 {strides = array<i32>} : memref<128x128xf32, #tpu.memory_space<vmem>>, vector<1x16xf32>,
      %swap3A_103 = arith.index_cast %scan3A_73 : i32 to index
      %swap3A_104 = arith.constant 96 : index
      %swap3A_105 = tpu.vector_load %arg10[%swap3A_103, %swap3A_104] {strides = array<i32>} : memref<128x128xf32, #tpu.memory_space<vmem>>, vector<1x16xf32>,
      %swap3A_106 = vector.shape_cast %swap3A_105 : vector<1x16xf32> to vector<16xf32>
      %swap3A_107 = vector.shape_cast %select_n3A_13 : vector<16xf32> to vector<1x16xf32>
      tpu.vector_store %arg10[%swap3A_103, %swap3A_104], %swap3A_107 {strides = array<i32>} : memref<128x128xf32, #tpu.memory_space<vmem>>, vector<1x16xf32>,
      %swap3A_108 = arith.index_cast %scan3A_73 : i32 to index
      %swap3A_109 = arith.constant 112 : index
      %swap3A_110 = tpu.vector_load %arg10[%swap3A_108, %swap3A_109] {strides = array<i32>} : memref<128x128xf32, #tpu.memory_space<vmem>>, vector<1x16xf32>,
      %swap3A_111 = vector.shape_cast %swap3A_110 : vector<1x16xf32> to vector<16xf32>
      %swap3A_112 = vector.shape_cast %select_n3A_13 : vector<16xf32> to vector<1x16xf32>
      tpu.vector_store %arg10[%swap3A_108, %swap3A_109], %swap3A_112 {strides = array<i32>} : memref<128x128xf32, #tpu.memory_space<vmem>>, vector<1x16xf32>,
    }
    %scan3A_65 = arith.constant 128 : i32
    %scan3A_66 = arith.constant 0 : i32
    %scan3A_67 = arith.constant 0 : i32
    %scan3A_68 = arith.constant 10 : i32
    %scan3A_69 = arith.addi %scan3A_67, %scan3A_68 : i32
    %scan3A_70 = arith.constant 1 : i32
    scf.for %scan3A_73 = %scan3A_67 to %scan3A_69 step %scan3A_70  : i32 {
      %mul3A_74 = arith.constant 80 : i32
      %mul3A_75 = arith.muli %add3A, %mul3A_74 : i32
      %mul3A_76 = arith.constant 8 : i32
      %mul3A_77 = arith.muli %scan3A_73, %mul3A_76 : i32
      %add3A_78 = arith.addi %mul3A_75, %mul3A_77 : i32
      %multiple_of3A = tpu.assume_multiple %add3A_78, 8 : i32
      "tpu.region"() ({
        %run_scoped3A_86 = tpu.sem_alloc : memref<!tpu.dma_semaphore, #tpu.memory_space<semaphore_mem>>
        %dma_start3A = arith.constant 0 : i32
        %dma_start3A_87 = tpu.memref_slice %arg4[%multiple_of3A, %dma_start3A] : memref<2560x128xi32, #tpu.memory_space<hbm>> -> memref<8x128xi32, #tpu.memory_space<hbm>>
        %dma_start3A_88 = arith.constant 0 : i32
        %dma_start3A_89 = tpu.memref_slice %arg4[%multiple_of3A, %dma_start3A_88] : memref<2560x128xi32, #tpu.memory_space<hbm>> -> memref<8x128xi32, #tpu.memory_space<hbm>>
        tpu.enqueue_dma source(%dma_start3A_89 : memref<8x128xi32, #tpu.memory_space<hbm>>) target(%arg9 : memref<8x128xi32, #tpu.memory_space<vmem>>) target_semaphore(%run_scoped3A_86 : memref<!tpu.dma_semaphore, #tpu.memory_space<semaphore_mem>>)
        %dma_wait3A = arith.constant 0 : i32
        %dma_wait3A_90 = tpu.memref_slice %arg4[%multiple_of3A, %dma_wait3A] : memref<2560x128xi32, #tpu.memory_space<hbm>> -> memref<8x128xi32, #tpu.memory_space<hbm>>
        %dma_wait3A_91 = arith.constant 0 : i32
        %dma_wait3A_92 = tpu.memref_slice %arg4[%multiple_of3A, %dma_wait3A_91] : memref<2560x128xi32, #tpu.memory_space<hbm>> -> memref<8x128xi32, #tpu.memory_space<hbm>>
        tpu.wait_dma2 semaphore(%run_scoped3A_86 : memref<!tpu.dma_semaphore, #tpu.memory_space<semaphore_mem>>) src(%dma_wait3A_92 : memref<8x128xi32, #tpu.memory_space<hbm>>) dst(%arg9 : memref<8x128xi32, #tpu.memory_space<vmem>>)
        tpu.yield
      }) : () -> ()
      %run_scoped3A = arith.constant 0 : i32
      "tpu.region"() ({
        %run_scoped3A_86 = tpu.sem_alloc : memref<!tpu.dma_semaphore, #tpu.memory_space<semaphore_mem>>
        %dma_start3A = arith.constant 0 : i32
        %dma_start3A_87 = tpu.memref_slice %arg9[%run_scoped3A, %dma_start3A] : memref<8x128xi32, #tpu.memory_space<vmem>> -> memref<1x128xi32, #tpu.memory_space<vmem>>
        %dma_start3A_88 = tpu.memref_squeeze %dma_start3A_87 : memref<1x128xi32, #tpu.memory_space<vmem>> -> memref<128xi32, #tpu.memory_space<vmem>>
        %dma_start3A_89 = arith.constant 0 : i32
        %dma_start3A_90 = arith.constant 0 : i32
        %dma_start3A_91 = tpu.memref_slice %arg7[%dma_start3A_89, %dma_start3A_90] : memref<10240x128xf32, #tpu.memory_space<vmem_shared>> -> memref<10240x128xf32, #tpu.memory_space<vmem_shared>>
        tpu.enqueue_indirect_dma source(%arg10 : memref<128x128xf32, #tpu.memory_space<vmem>>) target(%dma_start3A_91 : memref<10240x128xf32, #tpu.memory_space<vmem_shared>>) offsets(%dma_start3A_88 : memref<128xi32, #tpu.memory_space<vmem>>) semaphore(%run_scoped3A_86 : memref<!tpu.dma_semaphore, #tpu.memory_space<semaphore_mem>>) {add = true}
        %dma_wait3A = arith.constant 0 : i32
        %dma_wait3A_92 = tpu.memref_slice %arg9[%run_scoped3A, %dma_wait3A] : memref<8x128xi32, #tpu.memory_space<vmem>> -> memref<1x128xi32, #tpu.memory_space<vmem>>
        %dma_wait3A_93 = tpu.memref_squeeze %dma_wait3A_92 : memref<1x128xi32, #tpu.memory_space<vmem>> -> memref<128xi32, #tpu.memory_space<vmem>>
        %dma_wait3A_94 = arith.constant 0 : i32
        %dma_wait3A_95 = arith.constant 0 : i32
        %dma_wait3A_96 = tpu.memref_slice %arg7[%dma_wait3A_94, %dma_wait3A_95] : memref<10240x128xf32, #tpu.memory_space<vmem_shared>> -> memref<10240x128xf32, #tpu.memory_space<vmem_shared>>
        tpu.wait_indirect_dma semaphore(%run_scoped3A_86 : memref<!tpu.dma_semaphore, #tpu.memory_space<semaphore_mem>>) src(%arg10 : memref<128x128xf32, #tpu.memory_space<vmem>>) dst(%dma_wait3A_96 : memref<10240x128xf32, #tpu.memory_space<vmem_shared>>)
        tpu.yield
      }) : () -> ()
      %run_scoped3A_79 = arith.constant 1 : i32
      "tpu.region"() ({
        %run_scoped3A_86 = tpu.sem_alloc : memref<!tpu.dma_semaphore, #tpu.memory_space<semaphore_mem>>
        %dma_start3A = arith.constant 0 : i32
        %dma_start3A_87 = tpu.memref_slice %arg9[%run_scoped3A_79, %dma_start3A] : memref<8x128xi32, #tpu.memory_space<vmem>> -> memref<1x128xi32, #tpu.memory_space<vmem>>
        %dma_start3A_88 = tpu.memref_squeeze %dma_start3A_87 : memref<1x128xi32, #tpu.memory_space<vmem>> -> memref<128xi32, #tpu.memory_space<vmem>>
        %dma_start3A_89 = arith.constant 0 : i32
        %dma_start3A_90 = arith.constant 0 : i32
        %dma_start3A_91 = tpu.memref_slice %arg7[%dma_start3A_89, %dma_start3A_90] : memref<10240x128xf32, #tpu.memory_space<vmem_shared>> -> memref<10240x128xf32, #tpu.memory_space<vmem_shared>>
        tpu.enqueue_indirect_dma source(%arg10 : memref<128x128xf32, #tpu.memory_space<vmem>>) target(%dma_start3A_91 : memref<10240x128xf32, #tpu.memory_space<vmem_shared>>) offsets(%dma_start3A_88 : memref<128xi32, #tpu.memory_space<vmem>>) semaphore(%run_scoped3A_86 : memref<!tpu.dma_semaphore, #tpu.memory_space<semaphore_mem>>) {add = true}
        %dma_wait3A = arith.constant 0 : i32
        %dma_wait3A_92 = tpu.memref_slice %arg9[%run_scoped3A_79, %dma_wait3A] : memref<8x128xi32, #tpu.memory_space<vmem>> -> memref<1x128xi32, #tpu.memory_space<vmem>>
        %dma_wait3A_93 = tpu.memref_squeeze %dma_wait3A_92 : memref<1x128xi32, #tpu.memory_space<vmem>> -> memref<128xi32, #tpu.memory_space<vmem>>
        %dma_wait3A_94 = arith.constant 0 : i32
        %dma_wait3A_95 = arith.constant 0 : i32
        %dma_wait3A_96 = tpu.memref_slice %arg7[%dma_wait3A_94, %dma_wait3A_95] : memref<10240x128xf32, #tpu.memory_space<vmem_shared>> -> memref<10240x128xf32, #tpu.memory_space<vmem_shared>>
        tpu.wait_indirect_dma semaphore(%run_scoped3A_86 : memref<!tpu.dma_semaphore, #tpu.memory_space<semaphore_mem>>) src(%arg10 : memref<128x128xf32, #tpu.memory_space<vmem>>) dst(%dma_wait3A_96 : memref<10240x128xf32, #tpu.memory_space<vmem_shared>>)
        tpu.yield
      }) : () -> ()
      %run_scoped3A_80 = arith.constant 2 : i32
      "tpu.region"() ({
        %run_scoped3A_86 = tpu.sem_alloc : memref<!tpu.dma_semaphore, #tpu.memory_space<semaphore_mem>>
        %dma_start3A = arith.constant 0 : i32
        %dma_start3A_87 = tpu.memref_slice %arg9[%run_scoped3A_80, %dma_start3A] : memref<8x128xi32, #tpu.memory_space<vmem>> -> memref<1x128xi32, #tpu.memory_space<vmem>>
        %dma_start3A_88 = tpu.memref_squeeze %dma_start3A_87 : memref<1x128xi32, #tpu.memory_space<vmem>> -> memref<128xi32, #tpu.memory_space<vmem>>
        %dma_start3A_89 = arith.constant 0 : i32
        %dma_start3A_90 = arith.constant 0 : i32
        %dma_start3A_91 = tpu.memref_slice %arg7[%dma_start3A_89, %dma_start3A_90] : memref<10240x128xf32, #tpu.memory_space<vmem_shared>> -> memref<10240x128xf32, #tpu.memory_space<vmem_shared>>
        tpu.enqueue_indirect_dma source(%arg10 : memref<128x128xf32, #tpu.memory_space<vmem>>) target(%dma_start3A_91 : memref<10240x128xf32, #tpu.memory_space<vmem_shared>>) offsets(%dma_start3A_88 : memref<128xi32, #tpu.memory_space<vmem>>) semaphore(%run_scoped3A_86 : memref<!tpu.dma_semaphore, #tpu.memory_space<semaphore_mem>>) {add = true}
        %dma_wait3A = arith.constant 0 : i32
        %dma_wait3A_92 = tpu.memref_slice %arg9[%run_scoped3A_80, %dma_wait3A] : memref<8x128xi32, #tpu.memory_space<vmem>> -> memref<1x128xi32, #tpu.memory_space<vmem>>
        %dma_wait3A_93 = tpu.memref_squeeze %dma_wait3A_92 : memref<1x128xi32, #tpu.memory_space<vmem>> -> memref<128xi32, #tpu.memory_space<vmem>>
        %dma_wait3A_94 = arith.constant 0 : i32
        %dma_wait3A_95 = arith.constant 0 : i32
        %dma_wait3A_96 = tpu.memref_slice %arg7[%dma_wait3A_94, %dma_wait3A_95] : memref<10240x128xf32, #tpu.memory_space<vmem_shared>> -> memref<10240x128xf32, #tpu.memory_space<vmem_shared>>
        tpu.wait_indirect_dma semaphore(%run_scoped3A_86 : memref<!tpu.dma_semaphore, #tpu.memory_space<semaphore_mem>>) src(%arg10 : memref<128x128xf32, #tpu.memory_space<vmem>>) dst(%dma_wait3A_96 : memref<10240x128xf32, #tpu.memory_space<vmem_shared>>)
        tpu.yield
      }) : () -> ()
      %run_scoped3A_81 = arith.constant 3 : i32
      "tpu.region"() ({
        %run_scoped3A_86 = tpu.sem_alloc : memref<!tpu.dma_semaphore, #tpu.memory_space<semaphore_mem>>
        %dma_start3A = arith.constant 0 : i32
        %dma_start3A_87 = tpu.memref_slice %arg9[%run_scoped3A_81, %dma_start3A] : memref<8x128xi32, #tpu.memory_space<vmem>> -> memref<1x128xi32, #tpu.memory_space<vmem>>
        %dma_start3A_88 = tpu.memref_squeeze %dma_start3A_87 : memref<1x128xi32, #tpu.memory_space<vmem>> -> memref<128xi32, #tpu.memory_space<vmem>>
        %dma_start3A_89 = arith.constant 0 : i32
        %dma_start3A_90 = arith.constant 0 : i32
        %dma_start3A_91 = tpu.memref_slice %arg7[%dma_start3A_89, %dma_start3A_90] : memref<10240x128xf32, #tpu.memory_space<vmem_shared>> -> memref<10240x128xf32, #tpu.memory_space<vmem_shared>>
        tpu.enqueue_indirect_dma source(%arg10 : memref<128x128xf32, #tpu.memory_space<vmem>>) target(%dma_start3A_91 : memref<10240x128xf32, #tpu.memory_space<vmem_shared>>) offsets(%dma_start3A_88 : memref<128xi32, #tpu.memory_space<vmem>>) semaphore(%run_scoped3A_86 : memref<!tpu.dma_semaphore, #tpu.memory_space<semaphore_mem>>) {add = true}
        %dma_wait3A = arith.constant 0 : i32
        %dma_wait3A_92 = tpu.memref_slice %arg9[%run_scoped3A_81, %dma_wait3A] : memref<8x128xi32, #tpu.memory_space<vmem>> -> memref<1x128xi32, #tpu.memory_space<vmem>>
        %dma_wait3A_93 = tpu.memref_squeeze %dma_wait3A_92 : memref<1x128xi32, #tpu.memory_space<vmem>> -> memref<128xi32, #tpu.memory_space<vmem>>
        %dma_wait3A_94 = arith.constant 0 : i32
        %dma_wait3A_95 = arith.constant 0 : i32
        %dma_wait3A_96 = tpu.memref_slice %arg7[%dma_wait3A_94, %dma_wait3A_95] : memref<10240x128xf32, #tpu.memory_space<vmem_shared>> -> memref<10240x128xf32, #tpu.memory_space<vmem_shared>>
        tpu.wait_indirect_dma semaphore(%run_scoped3A_86 : memref<!tpu.dma_semaphore, #tpu.memory_space<semaphore_mem>>) src(%arg10 : memref<128x128xf32, #tpu.memory_space<vmem>>) dst(%dma_wait3A_96 : memref<10240x128xf32, #tpu.memory_space<vmem_shared>>)
        tpu.yield
      }) : () -> ()
      %run_scoped3A_82 = arith.constant 4 : i32
      "tpu.region"() ({
        %run_scoped3A_86 = tpu.sem_alloc : memref<!tpu.dma_semaphore, #tpu.memory_space<semaphore_mem>>
        %dma_start3A = arith.constant 0 : i32
        %dma_start3A_87 = tpu.memref_slice %arg9[%run_scoped3A_82, %dma_start3A] : memref<8x128xi32, #tpu.memory_space<vmem>> -> memref<1x128xi32, #tpu.memory_space<vmem>>
        %dma_start3A_88 = tpu.memref_squeeze %dma_start3A_87 : memref<1x128xi32, #tpu.memory_space<vmem>> -> memref<128xi32, #tpu.memory_space<vmem>>
        %dma_start3A_89 = arith.constant 0 : i32
        %dma_start3A_90 = arith.constant 0 : i32
        %dma_start3A_91 = tpu.memref_slice %arg7[%dma_start3A_89, %dma_start3A_90] : memref<10240x128xf32, #tpu.memory_space<vmem_shared>> -> memref<10240x128xf32, #tpu.memory_space<vmem_shared>>
        tpu.enqueue_indirect_dma source(%arg10 : memref<128x128xf32, #tpu.memory_space<vmem>>) target(%dma_start3A_91 : memref<10240x128xf32, #tpu.memory_space<vmem_shared>>) offsets(%dma_start3A_88 : memref<128xi32, #tpu.memory_space<vmem>>) semaphore(%run_scoped3A_86 : memref<!tpu.dma_semaphore, #tpu.memory_space<semaphore_mem>>) {add = true}
        %dma_wait3A = arith.constant 0 : i32
        %dma_wait3A_92 = tpu.memref_slice %arg9[%run_scoped3A_82, %dma_wait3A] : memref<8x128xi32, #tpu.memory_space<vmem>> -> memref<1x128xi32, #tpu.memory_space<vmem>>
        %dma_wait3A_93 = tpu.memref_squeeze %dma_wait3A_92 : memref<1x128xi32, #tpu.memory_space<vmem>> -> memref<128xi32, #tpu.memory_space<vmem>>
        %dma_wait3A_94 = arith.constant 0 : i32
        %dma_wait3A_95 = arith.constant 0 : i32
        %dma_wait3A_96 = tpu.memref_slice %arg7[%dma_wait3A_94, %dma_wait3A_95] : memref<10240x128xf32, #tpu.memory_space<vmem_shared>> -> memref<10240x128xf32, #tpu.memory_space<vmem_shared>>
        tpu.wait_indirect_dma semaphore(%run_scoped3A_86 : memref<!tpu.dma_semaphore, #tpu.memory_space<semaphore_mem>>) src(%arg10 : memref<128x128xf32, #tpu.memory_space<vmem>>) dst(%dma_wait3A_96 : memref<10240x128xf32, #tpu.memory_space<vmem_shared>>)
        tpu.yield
      }) : () -> ()
      %run_scoped3A_83 = arith.constant 5 : i32
      "tpu.region"() ({
        %run_scoped3A_86 = tpu.sem_alloc : memref<!tpu.dma_semaphore, #tpu.memory_space<semaphore_mem>>
        %dma_start3A = arith.constant 0 : i32
        %dma_start3A_87 = tpu.memref_slice %arg9[%run_scoped3A_83, %dma_start3A] : memref<8x128xi32, #tpu.memory_space<vmem>> -> memref<1x128xi32, #tpu.memory_space<vmem>>
        %dma_start3A_88 = tpu.memref_squeeze %dma_start3A_87 : memref<1x128xi32, #tpu.memory_space<vmem>> -> memref<128xi32, #tpu.memory_space<vmem>>
        %dma_start3A_89 = arith.constant 0 : i32
        %dma_start3A_90 = arith.constant 0 : i32
        %dma_start3A_91 = tpu.memref_slice %arg7[%dma_start3A_89, %dma_start3A_90] : memref<10240x128xf32, #tpu.memory_space<vmem_shared>> -> memref<10240x128xf32, #tpu.memory_space<vmem_shared>>
        tpu.enqueue_indirect_dma source(%arg10 : memref<128x128xf32, #tpu.memory_space<vmem>>) target(%dma_start3A_91 : memref<10240x128xf32, #tpu.memory_space<vmem_shared>>) offsets(%dma_start3A_88 : memref<128xi32, #tpu.memory_space<vmem>>) semaphore(%run_scoped3A_86 : memref<!tpu.dma_semaphore, #tpu.memory_space<semaphore_mem>>) {add = true}
        %dma_wait3A = arith.constant 0 : i32
        %dma_wait3A_92 = tpu.memref_slice %arg9[%run_scoped3A_83, %dma_wait3A] : memref<8x128xi32, #tpu.memory_space<vmem>> -> memref<1x128xi32, #tpu.memory_space<vmem>>
        %dma_wait3A_93 = tpu.memref_squeeze %dma_wait3A_92 : memref<1x128xi32, #tpu.memory_space<vmem>> -> memref<128xi32, #tpu.memory_space<vmem>>
        %dma_wait3A_94 = arith.constant 0 : i32
        %dma_wait3A_95 = arith.constant 0 : i32
        %dma_wait3A_96 = tpu.memref_slice %arg7[%dma_wait3A_94, %dma_wait3A_95] : memref<10240x128xf32, #tpu.memory_space<vmem_shared>> -> memref<10240x128xf32, #tpu.memory_space<vmem_shared>>
        tpu.wait_indirect_dma semaphore(%run_scoped3A_86 : memref<!tpu.dma_semaphore, #tpu.memory_space<semaphore_mem>>) src(%arg10 : memref<128x128xf32, #tpu.memory_space<vmem>>) dst(%dma_wait3A_96 : memref<10240x128xf32, #tpu.memory_space<vmem_shared>>)
        tpu.yield
      }) : () -> ()
      %run_scoped3A_84 = arith.constant 6 : i32
      "tpu.region"() ({
        %run_scoped3A_86 = tpu.sem_alloc : memref<!tpu.dma_semaphore, #tpu.memory_space<semaphore_mem>>
        %dma_start3A = arith.constant 0 : i32
        %dma_start3A_87 = tpu.memref_slice %arg9[%run_scoped3A_84, %dma_start3A] : memref<8x128xi32, #tpu.memory_space<vmem>> -> memref<1x128xi32, #tpu.memory_space<vmem>>
        %dma_start3A_88 = tpu.memref_squeeze %dma_start3A_87 : memref<1x128xi32, #tpu.memory_space<vmem>> -> memref<128xi32, #tpu.memory_space<vmem>>
        %dma_start3A_89 = arith.constant 0 : i32
        %dma_start3A_90 = arith.constant 0 : i32
        %dma_start3A_91 = tpu.memref_slice %arg7[%dma_start3A_89, %dma_start3A_90] : memref<10240x128xf32, #tpu.memory_space<vmem_shared>> -> memref<10240x128xf32, #tpu.memory_space<vmem_shared>>
        tpu.enqueue_indirect_dma source(%arg10 : memref<128x128xf32, #tpu.memory_space<vmem>>) target(%dma_start3A_91 : memref<10240x128xf32, #tpu.memory_space<vmem_shared>>) offsets(%dma_start3A_88 : memref<128xi32, #tpu.memory_space<vmem>>) semaphore(%run_scoped3A_86 : memref<!tpu.dma_semaphore, #tpu.memory_space<semaphore_mem>>) {add = true}
        %dma_wait3A = arith.constant 0 : i32
        %dma_wait3A_92 = tpu.memref_slice %arg9[%run_scoped3A_84, %dma_wait3A] : memref<8x128xi32, #tpu.memory_space<vmem>> -> memref<1x128xi32, #tpu.memory_space<vmem>>
        %dma_wait3A_93 = tpu.memref_squeeze %dma_wait3A_92 : memref<1x128xi32, #tpu.memory_space<vmem>> -> memref<128xi32, #tpu.memory_space<vmem>>
        %dma_wait3A_94 = arith.constant 0 : i32
        %dma_wait3A_95 = arith.constant 0 : i32
        %dma_wait3A_96 = tpu.memref_slice %arg7[%dma_wait3A_94, %dma_wait3A_95] : memref<10240x128xf32, #tpu.memory_space<vmem_shared>> -> memref<10240x128xf32, #tpu.memory_space<vmem_shared>>
        tpu.wait_indirect_dma semaphore(%run_scoped3A_86 : memref<!tpu.dma_semaphore, #tpu.memory_space<semaphore_mem>>) src(%arg10 : memref<128x128xf32, #tpu.memory_space<vmem>>) dst(%dma_wait3A_96 : memref<10240x128xf32, #tpu.memory_space<vmem_shared>>)
        tpu.yield
      }) : () -> ()
      %run_scoped3A_85 = arith.constant 7 : i32
      "tpu.region"() ({
        %run_scoped3A_86 = tpu.sem_alloc : memref<!tpu.dma_semaphore, #tpu.memory_space<semaphore_mem>>
        %dma_start3A = arith.constant 0 : i32
        %dma_start3A_87 = tpu.memref_slice %arg9[%run_scoped3A_85, %dma_start3A] : memref<8x128xi32, #tpu.memory_space<vmem>> -> memref<1x128xi32, #tpu.memory_space<vmem>>
        %dma_start3A_88 = tpu.memref_squeeze %dma_start3A_87 : memref<1x128xi32, #tpu.memory_space<vmem>> -> memref<128xi32, #tpu.memory_space<vmem>>
        %dma_start3A_89 = arith.constant 0 : i32
        %dma_start3A_90 = arith.constant 0 : i32
        %dma_start3A_91 = tpu.memref_slice %arg7[%dma_start3A_89, %dma_start3A_90] : memref<10240x128xf32, #tpu.memory_space<vmem_shared>> -> memref<10240x128xf32, #tpu.memory_space<vmem_shared>>
        tpu.enqueue_indirect_dma source(%arg10 : memref<128x128xf32, #tpu.memory_space<vmem>>) target(%dma_start3A_91 : memref<10240x128xf32, #tpu.memory_space<vmem_shared>>) offsets(%dma_start3A_88 : memref<128xi32, #tpu.memory_space<vmem>>) semaphore(%run_scoped3A_86 : memref<!tpu.dma_semaphore, #tpu.memory_space<semaphore_mem>>) {add = true}
        %dma_wait3A = arith.constant 0 : i32
        %dma_wait3A_92 = tpu.memref_slice %arg9[%run_scoped3A_85, %dma_wait3A] : memref<8x128xi32, #tpu.memory_space<vmem>> -> memref<1x128xi32, #tpu.memory_space<vmem>>
        %dma_wait3A_93 = tpu.memref_squeeze %dma_wait3A_92 : memref<1x128xi32, #tpu.memory_space<vmem>> -> memref<128xi32, #tpu.memory_space<vmem>>
        %dma_wait3A_94 = arith.constant 0 : i32
        %dma_wait3A_95 = arith.constant 0 : i32
        %dma_wait3A_96 = tpu.memref_slice %arg7[%dma_wait3A_94, %dma_wait3A_95] : memref<10240x128xf32, #tpu.memory_space<vmem_shared>> -> memref<10240x128xf32, #tpu.memory_space<vmem_shared>>
        tpu.wait_indirect_dma semaphore(%run_scoped3A_86 : memref<!tpu.dma_semaphore, #tpu.memory_space<semaphore_mem>>) src(%arg10 : memref<128x128xf32, #tpu.memory_space<vmem>>) dst(%dma_wait3A_96 : memref<10240x128xf32, #tpu.memory_space<vmem_shared>>)
        tpu.yield
      }) : () -> ()
    }
    %scan3A_71 = arith.constant 10 : i32
    %barrier3A_72 = arith.constant 0 : index
    tpu.barrier barrier_id(%barrier3A_72)
    "tpu.region"() ({
      %run_scoped3A = tpu.sem_alloc : memref<!tpu.dma_semaphore, #tpu.memory_space<semaphore_mem>>
      %dma_start3A = arith.constant 0 : i32
      %dma_start3A_73 = tpu.memref_slice %arg6[%arg0, %mul3A_2, %dma_start3A] : memref<2x10240x128xf32, #tpu.memory_space<hbm>> -> memref<1x640x128xf32, #tpu.memory_space<hbm>>
      %dma_start3A_74 = tpu.memref_squeeze %dma_start3A_73 : memref<1x640x128xf32, #tpu.memory_space<hbm>> -> memref<640x128xf32, #tpu.memory_space<hbm>>
      %dma_start3A_75 = arith.constant 0 : i32
      %dma_start3A_76 = tpu.memref_slice %arg7[%mul3A_2, %dma_start3A_75] : memref<10240x128xf32, #tpu.memory_space<vmem_shared>> -> memref<640x128xf32, #tpu.memory_space<vmem_shared>>
      tpu.enqueue_dma source(%dma_start3A_76 : memref<640x128xf32, #tpu.memory_space<vmem_shared>>) target(%dma_start3A_74 : memref<640x128xf32, #tpu.memory_space<hbm>>) target_semaphore(%run_scoped3A : memref<!tpu.dma_semaphore, #tpu.memory_space<semaphore_mem>>)
      %dma_wait3A = arith.constant 0 : i32
      %dma_wait3A_77 = tpu.memref_slice %arg6[%arg0, %mul3A_2, %dma_wait3A] : memref<2x10240x128xf32, #tpu.memory_space<hbm>> -> memref<1x640x128xf32, #tpu.memory_space<hbm>>
      %dma_wait3A_78 = tpu.memref_squeeze %dma_wait3A_77 : memref<1x640x128xf32, #tpu.memory_space<hbm>> -> memref<640x128xf32, #tpu.memory_space<hbm>>
      %dma_wait3A_79 = arith.constant 0 : i32
      %dma_wait3A_80 = tpu.memref_slice %arg7[%mul3A_2, %dma_wait3A_79] : memref<10240x128xf32, #tpu.memory_space<vmem_shared>> -> memref<640x128xf32, #tpu.memory_space<vmem_shared>>
      tpu.wait_dma2 semaphore(%run_scoped3A : memref<!tpu.dma_semaphore, #tpu.memory_space<semaphore_mem>>) src(%dma_wait3A_80 : memref<640x128xf32, #tpu.memory_space<vmem_shared>>) dst(%dma_wait3A_78 : memref<640x128xf32, #tpu.memory_space<hbm>>)
      tpu.yield
    }) : () -> ()
    return
  }
}

module attributes {stable_mosaic.version = 14 : i64} {
  func.func @_ln_relu_body(%arg0: i32, %arg1: memref<1000x128xf32, #tpu.memory_space<vmem>>, %arg2: memref<1x128xf32, #tpu.memory_space<vmem>>, %arg3: memref<1x128xf32, #tpu.memory_space<vmem>>, %arg4: memref<1000x128xf32, #tpu.memory_space<vmem>>) attributes {dimension_semantics = [#tpu.dimension_semantics<arbitrary>], iteration_bounds = array<i64: 10>, scalar_prefetch = 0 : i64, scratch_operands = 0 : i64, tpu.core_type = #tpu.core_type<tc>, window_params = [{transform_indices = @transform_0, window_bounds = array<i64: 1000, 128>}, {pipeline_mode = #tpu.pipeline_mode<synchronous>, transform_indices = @transform_1, window_bounds = array<i64: 1, 128>}, {pipeline_mode = #tpu.pipeline_mode<synchronous>, transform_indices = @transform_2, window_bounds = array<i64: 1, 128>}, {transform_indices = @transform_3, window_bounds = array<i64: 1000, 128>}]} {
    %get3A = arith.constant 0 : index
    %get3A_0 = arith.constant 0 : index
    %get3A_1 = vector.load %arg1[%get3A, %get3A_0] : memref<1000x128xf32, #tpu.memory_space<vmem>>, vector<1000x128xf32>
    %reduce_sum3A = arith.constant dense<0.000000e+00> : vector<1000xf32>
    %reduce_sum3A_2 = vector.multi_reduction <add>, %get3A_1, %reduce_sum3A [1] : vector<1000x128xf32> to vector<1000xf32>
    %broadcast_in_dim3A = vector.shape_cast %reduce_sum3A_2 : vector<1000xf32> to vector<1000x1xf32>
    %div3A = arith.constant 1.280000e+02 : f32
    %div3A_3 = vector.broadcast %div3A : f32 to vector<1000x1xf32>
    %div3A_4 = arith.divf %broadcast_in_dim3A, %div3A_3 : vector<1000x1xf32>
    %sub3A = vector.broadcast %div3A_4 : vector<1000x1xf32> to vector<1000x128xf32>
    %sub3A_5 = arith.subf %get3A_1, %sub3A : vector<1000x128xf32>
    %integer_pow3A = arith.mulf %sub3A_5, %sub3A_5 : vector<1000x128xf32>
    %reduce_sum3A_6 = arith.constant dense<0.000000e+00> : vector<1000xf32>
    %reduce_sum3A_7 = vector.multi_reduction <add>, %integer_pow3A, %reduce_sum3A_6 [1] : vector<1000x128xf32> to vector<1000xf32>
    %broadcast_in_dim3A_8 = vector.shape_cast %reduce_sum3A_7 : vector<1000xf32> to vector<1000x1xf32>
    %div3A_9 = arith.constant 1.280000e+02 : f32
    %div3A_10 = vector.broadcast %div3A_9 : f32 to vector<1000x1xf32>
    %div3A_11 = arith.divf %broadcast_in_dim3A_8, %div3A_10 : vector<1000x1xf32>
    %sub3A_12 = vector.broadcast %div3A_4 : vector<1000x1xf32> to vector<1000x128xf32>
    %sub3A_13 = arith.subf %get3A_1, %sub3A_12 : vector<1000x128xf32>
    %add3A = arith.constant 9.99999974E-6 : f32
    %add3A_14 = vector.broadcast %add3A : f32 to vector<1000x1xf32>
    %add3A_15 = arith.addf %div3A_11, %add3A_14 : vector<1000x1xf32>
    %rsqrt3A = math.rsqrt %add3A_15 : vector<1000x1xf32>
    %mul3A = vector.broadcast %rsqrt3A : vector<1000x1xf32> to vector<1000x128xf32>
    %mul3A_16 = arith.mulf %sub3A_13, %mul3A : vector<1000x128xf32>
    %get3A_17 = arith.constant 0 : index
    %get3A_18 = arith.constant 0 : index
    %get3A_19 = vector.load %arg2[%get3A_17, %get3A_18] : memref<1x128xf32, #tpu.memory_space<vmem>>, vector<1x128xf32>
    %mul3A_20 = vector.broadcast %get3A_19 : vector<1x128xf32> to vector<1000x128xf32>
    %mul3A_21 = arith.mulf %mul3A_16, %mul3A_20 : vector<1000x128xf32>
    %get3A_22 = arith.constant 0 : index
    %get3A_23 = arith.constant 0 : index
    %get3A_24 = vector.load %arg3[%get3A_22, %get3A_23] : memref<1x128xf32, #tpu.memory_space<vmem>>, vector<1x128xf32>
    %add3A_25 = vector.broadcast %get3A_24 : vector<1x128xf32> to vector<1000x128xf32>
    %add3A_26 = arith.addf %mul3A_21, %add3A_25 : vector<1000x128xf32>
    %max3A = arith.constant 0.000000e+00 : f32
    %max3A_27 = vector.broadcast %max3A : f32 to vector<1000x128xf32>
    %max3A_28 = arith.maximumf %add3A_26, %max3A_27 : vector<1000x128xf32>
    %swap3A = arith.constant 0 : index
    %swap3A_29 = arith.constant 0 : index
    %swap3A_30 = vector.load %arg4[%swap3A, %swap3A_29] : memref<1000x128xf32, #tpu.memory_space<vmem>>, vector<1000x128xf32>
    tpu.vector_store %arg4[%swap3A, %swap3A_29], %max3A_28 {strides = array<i32>} : memref<1000x128xf32, #tpu.memory_space<vmem>>, vector<1000x128xf32>,
    return
  }
  func.func @transform_0(%arg0: i32) -> (i32, i32) {
    %c0_i32 = arith.constant 0 : i32
    %c0_i32_0 = arith.constant 0 : i32
    return %arg0, %c0_i32 : i32, i32
  }
  func.func @transform_1(%arg0: i32) -> (i32, i32) {
    %c0_i32 = arith.constant 0 : i32
    %c0_i32_0 = arith.constant 0 : i32
    %c0_i32_1 = arith.constant 0 : i32
    return %c0_i32, %c0_i32_0 : i32, i32
  }
  func.func @transform_2(%arg0: i32) -> (i32, i32) {
    %c0_i32 = arith.constant 0 : i32
    %c0_i32_0 = arith.constant 0 : i32
    %c0_i32_1 = arith.constant 0 : i32
    return %c0_i32, %c0_i32_0 : i32, i32
  }
  func.func @transform_3(%arg0: i32) -> (i32, i32) {
    %c0_i32 = arith.constant 0 : i32
    %c0_i32_0 = arith.constant 0 : i32
    return %arg0, %c0_i32 : i32, i32
  }
}

module attributes {stable_mosaic.version = 14 : i64} {
  func.func @_final_body(%arg0: i32, %arg1: memref<1000x128xf32, #tpu.memory_space<vmem>>, %arg2: memref<1000x128xf32, #tpu.memory_space<vmem>>, %arg3: memref<1000x128xf32, #tpu.memory_space<vmem>>, %arg4: memref<1000x128xf32, #tpu.memory_space<vmem>>, %arg5: memref<1000x128xf32, #tpu.memory_space<vmem>>, %arg6: memref<1000x128xf32, #tpu.memory_space<vmem>>, %arg7: memref<128x128xf32, #tpu.memory_space<vmem>>, %arg8: memref<128x128xf32, #tpu.memory_space<vmem>>, %arg9: memref<1x128xf32, #tpu.memory_space<vmem>>, %arg10: memref<1000x128xf32, #tpu.memory_space<vmem>>) attributes {dimension_semantics = [#tpu.dimension_semantics<arbitrary>], iteration_bounds = array<i64: 10>, scalar_prefetch = 0 : i64, scratch_operands = 0 : i64, tpu.core_type = #tpu.core_type<tc>, window_params = [{transform_indices = @transform_0, window_bounds = array<i64: 1000, 128>}, {transform_indices = @transform_1, window_bounds = array<i64: 1000, 128>}, {transform_indices = @transform_2, window_bounds = array<i64: 1000, 128>}, {transform_indices = @transform_3, window_bounds = array<i64: 1000, 128>}, {transform_indices = @transform_4, window_bounds = array<i64: 1000, 128>}, {transform_indices = @transform_5, window_bounds = array<i64: 1000, 128>}, {pipeline_mode = #tpu.pipeline_mode<synchronous>, transform_indices = @transform_6, window_bounds = array<i64: 128, 128>}, {pipeline_mode = #tpu.pipeline_mode<synchronous>, transform_indices = @transform_7, window_bounds = array<i64: 128, 128>}, {pipeline_mode = #tpu.pipeline_mode<synchronous>, transform_indices = @transform_8, window_bounds = array<i64: 1, 128>}, {transform_indices = @transform_9, window_bounds = array<i64: 1000, 128>}]} {
    %get3A = arith.constant 0 : index
    %get3A_0 = arith.constant 0 : index
    %get3A_1 = vector.load %arg3[%get3A, %get3A_0] : memref<1000x128xf32, #tpu.memory_space<vmem>>, vector<1000x128xf32>
    %get3A_2 = arith.constant 0 : index
    %get3A_3 = arith.constant 0 : index
    %get3A_4 = vector.load %arg4[%get3A_2, %get3A_3] : memref<1000x128xf32, #tpu.memory_space<vmem>>, vector<1000x128xf32>
    %add3A = arith.addf %get3A_1, %get3A_4 : vector<1000x128xf32>
    %get3A_5 = arith.constant 0 : index
    %get3A_6 = arith.constant 0 : index
    %get3A_7 = vector.load %arg5[%get3A_5, %get3A_6] : memref<1000x128xf32, #tpu.memory_space<vmem>>, vector<1000x128xf32>
    %get3A_8 = arith.constant 0 : index
    %get3A_9 = arith.constant 0 : index
    %get3A_10 = vector.load %arg6[%get3A_8, %get3A_9] : memref<1000x128xf32, #tpu.memory_space<vmem>>, vector<1000x128xf32>
    %add3A_11 = arith.addf %get3A_7, %get3A_10 : vector<1000x128xf32>
    %max3A = arith.constant 1.000000e+00 : f32
    %max3A_12 = vector.broadcast %max3A : f32 to vector<1000x128xf32>
    %max3A_13 = arith.maximumf %add3A_11, %max3A_12 : vector<1000x128xf32>
    %div3A = arith.divf %add3A, %max3A_13 : vector<1000x128xf32>
    %get3A_14 = arith.constant 0 : index
    %get3A_15 = arith.constant 0 : index
    %get3A_16 = vector.load %arg7[%get3A_14, %get3A_15] : memref<128x128xf32, #tpu.memory_space<vmem>>, vector<128x128xf32>
    %dot_general3A = arith.constant dense<0.000000e+00> : vector<1000x128xf32>
    %dot_general3A_17 = tpu.matmul %div3A, %get3A_16, %dot_general3A {dimension_numbers = #tpu.dot_dimension_numbers<[1], [0], [0], [1], [0, 0, 1, 1], [], []>, transpose_lhs_hint = false} : vector<1000x128xf32>, vector<128x128xf32>, vector<1000x128xf32> -> vector<1000x128xf32>
    %get3A_18 = arith.constant 0 : index
    %get3A_19 = arith.constant 0 : index
    %get3A_20 = vector.load %arg2[%get3A_18, %get3A_19] : memref<1000x128xf32, #tpu.memory_space<vmem>>, vector<1000x128xf32>
    %get3A_21 = arith.constant 0 : index
    %get3A_22 = arith.constant 0 : index
    %get3A_23 = vector.load %arg8[%get3A_21, %get3A_22] : memref<128x128xf32, #tpu.memory_space<vmem>>, vector<128x128xf32>
    %dot_general3A_24 = arith.constant dense<0.000000e+00> : vector<1000x128xf32>
    %dot_general3A_25 = tpu.matmul %get3A_20, %get3A_23, %dot_general3A_24 {dimension_numbers = #tpu.dot_dimension_numbers<[1], [0], [0], [1], [0, 0, 1, 1], [], []>, transpose_lhs_hint = false} : vector<1000x128xf32>, vector<128x128xf32>, vector<1000x128xf32> -> vector<1000x128xf32>
    %add3A_26 = arith.addf %dot_general3A_17, %dot_general3A_25 : vector<1000x128xf32>
    %get3A_27 = arith.constant 0 : index
    %get3A_28 = arith.constant 0 : index
    %get3A_29 = vector.load %arg9[%get3A_27, %get3A_28] : memref<1x128xf32, #tpu.memory_space<vmem>>, vector<1x128xf32>
    %add3A_30 = vector.broadcast %get3A_29 : vector<1x128xf32> to vector<1000x128xf32>
    %add3A_31 = arith.addf %add3A_26, %add3A_30 : vector<1000x128xf32>
    %get3A_32 = arith.constant 0 : index
    %get3A_33 = arith.constant 0 : index
    %get3A_34 = vector.load %arg1[%get3A_32, %get3A_33] : memref<1000x128xf32, #tpu.memory_space<vmem>>, vector<1000x128xf32>
    %add3A_35 = arith.addf %add3A_31, %get3A_34 : vector<1000x128xf32>
    %swap3A = arith.constant 0 : index
    %swap3A_36 = arith.constant 0 : index
    %swap3A_37 = vector.load %arg10[%swap3A, %swap3A_36] : memref<1000x128xf32, #tpu.memory_space<vmem>>, vector<1000x128xf32>
    tpu.vector_store %arg10[%swap3A, %swap3A_36], %add3A_35 {strides = array<i32>} : memref<1000x128xf32, #tpu.memory_space<vmem>>, vector<1000x128xf32>,
    return
  }
  func.func @transform_0(%arg0: i32) -> (i32, i32) {
    %c0_i32 = arith.constant 0 : i32
    %c0_i32_0 = arith.constant 0 : i32
    return %arg0, %c0_i32 : i32, i32
  }
  func.func @transform_1(%arg0: i32) -> (i32, i32) {
    %c0_i32 = arith.constant 0 : i32
    %c0_i32_0 = arith.constant 0 : i32
    return %arg0, %c0_i32 : i32, i32
  }
  func.func @transform_2(%arg0: i32) -> (i32, i32) {
    %c0_i32 = arith.constant 0 : i32
    %c0_i32_0 = arith.constant 0 : i32
    return %arg0, %c0_i32 : i32, i32
  }
  func.func @transform_3(%arg0: i32) -> (i32, i32) {
    %c0_i32 = arith.constant 0 : i32
    %c0_i32_0 = arith.constant 0 : i32
    return %arg0, %c0_i32 : i32, i32
  }
  func.func @transform_4(%arg0: i32) -> (i32, i32) {
    %c0_i32 = arith.constant 0 : i32
    %c0_i32_0 = arith.constant 0 : i32
    return %arg0, %c0_i32 : i32, i32
  }
  func.func @transform_5(%arg0: i32) -> (i32, i32) {
    %c0_i32 = arith.constant 0 : i32
    %c0_i32_0 = arith.constant 0 : i32
    return %arg0, %c0_i32 : i32, i32
  }
  func.func @transform_6(%arg0: i32) -> (i32, i32) {
    %c0_i32 = arith.constant 0 : i32
    %c0_i32_0 = arith.constant 0 : i32
    %c0_i32_1 = arith.constant 0 : i32
    return %c0_i32, %c0_i32_0 : i32, i32
  }
  func.func @transform_7(%arg0: i32) -> (i32, i32) {
    %c0_i32 = arith.constant 0 : i32
    %c0_i32_0 = arith.constant 0 : i32
    %c0_i32_1 = arith.constant 0 : i32
    return %c0_i32, %c0_i32_0 : i32, i32
  }
  func.func @transform_8(%arg0: i32) -> (i32, i32) {
    %c0_i32 = arith.constant 0 : i32
    %c0_i32_0 = arith.constant 0 : i32
    %c0_i32_1 = arith.constant 0 : i32
    return %c0_i32, %c0_i32_0 : i32, i32
  }
  func.func @transform_9(%arg0: i32) -> (i32, i32) {
    %c0_i32 = arith.constant 0 : i32
    %c0_i32_0 = arith.constant 0 : i32
    return %arg0, %c0_i32 : i32, i32
  }
}

</mosaic_0001>

<sc_bundles>
// kernel: kernel.5.cloned.1.call-start
scs
__scs_entry_jumppad:
0x0: {  	(pc) =	sbr.rel $0x88, $3  }
0x1: {  	(tag) =	ssettag $0x0;
	lr =	simm.s32 $0x1  }
0x2: {  	[smem:$0x3F9A] =	sst lr;
	_ =	strace $0xD0000000  }
0x3: {  	_ = 	snop  }
0x4: {  	_ = 	snop  }
0x5: {  	_ = 	snop  }
0x6: {  	_ = 	snop  }
0x7: {  	_ = 	snop  }
__scs_overlays_trampoline_lowered:
0x8: {  	[smem:$0x3FA9] =	sst s0  }
0x9: {  	[smem:$0x3FAA] =	sst s1  }
0xa: {  	[smem:$0x3FAB] =	sst s2  }
0xb: {  	[smem:$0x3FAC] =	sst s3  }
0xc: {  	[smem:$0x3FAD] =	sst s4  }
0xd: {  	[smem:$0x3FAE] =	sst s5  }
0xe: {  	[smem:$0x3FAF] =	sst s6  }
0xf: {  	[smem:$0x3FB0] =	sst s7  }
0x10: {  	[smem:$0x3FB1] =	sst s8  }
0x11: {  	[smem:$0x3FB2] =	sst s9;
	s0 =	simm.s32 @!p0 $0x0  }
0x12: {  	s1 =	sld [smem:$0x3F98];
	s0 =	simm.s32 @p0 $0x1  }
0x13: {  	[smem:$0x3FB3] =	sst s0;
	s0 =	simm.s32 @!p1 $0x0  }
0x14: {  	s2 =	sld [smem:$0x3F97];
	s0 =	simm.s32 @p1 $0x1  }
0x15: {  	[smem:$0x3FB4] =	sst s0;
	s0 =	simm.s32 @!p2 $0x0  }
0x16: {  	s3 =	sld [smem:$0x3FDB];
	s0 =	simm.s32 @p2 $0x1  }
0x17: {  	s4 =	simm.s32 $0x1BF5;
	[smem:$0x3FB6] =	sst s0  }
0x18: {  	s0 =	sld [smem:$0x3F99];
	_ =	swait.ge [sflag:s4], $0x0  }
0x19: {  	s7 =	sld [smem:$0x3F9A]  }
0x1a: {  	s8 =	sadd.s32 $0xFFFFE003, lr  }
0x1b: {  	s9 =	sadd.s32 $0xFFFFFEF7, lr;
	s5 =	simm.s32 $0xFFFFFFFF;
	p2 =	slt.u32 s8, $0xFFFFF086  }
0x1c: {  	p1 =	slt.u32 s9, $0xF7A;
	s5 =	simm.s32 @!p2 $0x0  }
0x1d: {  	s5 =	simm.s32 @p1 $0x1;
	p0 =	seq.s32 s7, s2  }
0x1e: {  	s7 =	smul.u32 @!p0 $0xF7A, s2;
	p2 =	seq.s32 @!p0 s5, $0x0  }
0x1f: {  	s9 =	smul.u32 $0xF7A, s1;
	s8 =	simm.s32 @!p0 $0x1BF5;
	p2 =	por !p2, p0  }
0x20: {  	[sflag:s8] =	ssyncset.s32 @!p0 $0xFFFFF086;
	s6 =	sadd.s32 @!p0 s3, s7;
	s7 =	simm.s32 @!p0 $0x108  }
0x21: {  	s3 =	sadd.s32 s3, s9;
	s6 =	sadd.s32 @!p0 $0x88, s6;
	s7 =	simm.s32 @p2 $0x1082  }
0x22: {  	[simem:s7], [sflag:s8] =	dma.local @!p0 [hbm:s6], $0xF7A  }
0x23: {  	s9 =	sor.u32 $0xD0000000, s2;
	s6 =	simm.s32 $0x108;
	_ =	swait.ge @!p0 [sflag:s8], $0x0  }
0x24: {  	s3 =	sadd.s32 $0x88, s3;
	s6 =	simm.s32 @!p1 $0x1082;
	[sflag:s4] =	ssyncset.s32 $0xFFFFF086  }
0x25: {  	[simem:s6], [sflag:s4] =	dma.local [hbm:s3], $0xF7A  }
0x26: {  	[smem:$0x3F9A] =	sst s1;
	(tag) =	ssettag s2;
	_ =	strace s9  }
0x27: {  	s1 =	sld [smem:$0x3FAA]  }
0x28: {  	s2 =	sld [smem:$0x3FAB]  }
0x29: {  	s4 =	sld [smem:$0x3FAD]  }
0x2a: {  	p0 =	seq.s32 s5, $0x0;
	s5 =	sld [smem:$0x3FAE]  }
0x2b: {  	s6 =	sld [smem:$0x3FAF]  }
0x2c: {  	s7 =	sld [smem:$0x3FB0]  }
0x2d: {  	s3 =	simm.s32 $0x108;
	s8 =	sld [smem:$0x3FB1]  }
0x2e: {  	s3 =	simm.s32 @!p0 $0x1082;
	s9 =	sld [smem:$0x3FB2]  }
0x2f: {  	lr =	sadd.s32 s0, s3;
	s0 =	sld [smem:$0x3FA9]  }
0x30: {  	s3 =	sld [smem:$0x3FAC]  }
0x31: {  	[smem:$0x3FB5] =	sst s10  }
0x32: {  	s10 =	sld [smem:$0x3FB3];
	_ =	sdelay $0x3  }
0x33: {  	p0 =	seq.s32 s10, $0x1;
	s10 =	sld [smem:$0x3FB5];
	_ =	sdelay $0x3  }
0x34: {  	[smem:$0x3FB5] =	sst s10  }
0x35: {  	s10 =	sld [smem:$0x3FB4];
	_ =	sdelay $0x3  }
0x36: {  	p1 =	seq.s32 s10, $0x1;
	s10 =	sld [smem:$0x3FB5];
	_ =	sdelay $0x3  }
0x37: {  	[smem:$0x3FB5] =	sst s10  }
0x38: {  	s10 =	sld [smem:$0x3FB6]  }
0x39: {  	_ = 	snop;
	(pc) =	sbr.ind lr, $3  }
0x3a: {  	_ = 	snop  }
0x3b: {  	_ = 	snop  }
0x3c: {  	p2 =	seq.s32 s10, $0x1;
	s10 =	sld [smem:$0x3FB5]  }
0x3d: {  	_ =	shalt  }
0x3e: {  	_ =	shalt  }
0x3f: {  	_ =	shalt  }
0x40: {  	_ =	shalt  }
0x41: {  	_ =	shalt  }
0x42: {  	_ =	shalt  }
0x43: {  	_ =	shalt  }
0x44: {  	_ =	shalt  }
0x45: {  	_ =	shalt  }
0x46: {  	_ =	shalt  }
0x47: {  	_ =	shalt  }
0x48: {  	_ =	shalt  }
0x49: {  	_ =	shalt  }
0x4a: {  	_ =	shalt  }
0x4b: {  	_ =	shalt  }
0x4c: {  	_ =	shalt  }
0x4d: {  	_ =	shalt  }
0x4e: {  	_ =	shalt  }
0x4f: {  	_ =	shalt  }
0x50: {  	_ =	shalt  }
0x51: {  	_ =	shalt  }
0x52: {  	_ =	shalt  }
0x53: {  	_ =	shalt  }
0x54: {  	_ =	shalt  }
0x55: {  	_ =	shalt  }
0x56: {  	_ =	shalt  }
0x57: {  	_ =	shalt  }
0x58: {  	_ =	shalt  }
0x59: {  	_ =	shalt  }
0x5a: {  	_ =	shalt  }
0x5b: {  	_ =	shalt  }
0x5c: {  	_ =	shalt  }
0x5d: {  	_ =	shalt  }
0x5e: {  	_ =	shalt  }
0x5f: {  	_ =	shalt  }
0x60: {  	_ =	shalt  }
0x61: {  	_ =	shalt  }
0x62: {  	_ =	shalt  }
0x63: {  	_ =	shalt  }
0x64: {  	_ =	shalt  }
0x65: {  	_ =	shalt  }
0x66: {  	_ =	shalt  }
0x67: {  	_ =	shalt  }
0x68: {  	_ =	shalt  }
0x69: {  	_ =	shalt  }
0x6a: {  	_ =	shalt  }
0x6b: {  	_ =	shalt  }
0x6c: {  	_ =	shalt  }
0x6d: {  	_ =	shalt  }
0x6e: {  	_ =	shalt  }
0x6f: {  	_ =	shalt  }
0x70: {  	_ =	shalt  }
0x71: {  	_ =	shalt  }
0x72: {  	_ =	shalt  }
0x73: {  	_ =	shalt  }
0x74: {  	_ =	shalt  }
0x75: {  	_ =	shalt  }
0x76: {  	_ =	shalt  }
0x77: {  	_ =	shalt  }
0x78: {  	_ =	shalt  }
0x79: {  	_ =	shalt  }
0x7a: {  	_ =	shalt  }
0x7b: {  	_ =	shalt  }
0x7c: {  	_ =	shalt  }
0x7d: {  	_ =	shalt  }
0x7e: {  	_ =	shalt  }
0x7f: {  	_ =	shalt  }
0x80: {  	_ =	shalt  }
0x81: {  	_ =	shalt  }
0x82: {  	_ =	shalt  }
0x83: {  	_ =	shalt  }
0x84: {  	_ =	shalt  }
0x85: {  	_ =	shalt  }
0x86: {  	_ =	shalt  }
0x87: {  	_ =	shalt  }
.Lfunc_end0:
.L_simem_size_0:
called_computation_lowered:
.L_overlay_start_0:
0x88: {  	s2 =	sld [smem:$0x3FD9]  }
0x89: {  	s3 =	sld [smem:$0x3FFE];
	_ =	sdelay $0x1  }
0x8a: {  	s1 =	srdreg.scid  }
0x8b: {  	s0 =	sand.u32 $0x1, s1  }
0x8c: {  	s17 =	sshll.u32 s0, $0xA;
	s2 =	sadd.s32 s3, s2  }
0x8d: {  	s2 =	sadd.s32 s2, s17  }
0x8e: {  	[smem:$0x3FC1] =	sst s2  }
0x8f: {  	_ = 	snop  }
0x90: {  	s2 =	sld [smem:$0x3FD0];
	(tm) =	ssettm $0x1  }
0x91: {  	s18 =	sld [smem:$0x3FFB];
	_ =	sdelay $0x3  }
0x92: {  	_ =	strace s18  }
0x93: {  	s3 =	sld [smem:$0x3FFC];
	_ =	sdelay $0x3  }
0x94: {  	_ =	strace s3  }
0x95: {  	s3 =	sld [smem:$0x3FFD];
	_ =	sdelay $0x3  }
0x96: {  	_ =	strace s3  }
0x97: {  	_ =	strace $0x8FFFFFFF  }
0x98: {  	s19 =	sld [smem:$0x3FDB];
	_ =	sdelay $0x1  }
0x99: {  	s4 =	simm.s32 $_scs_section_size  }
0x9a: {  	s5 =	simm.s32 $_size__tile_overlayer_lowered;
	s6 =	simm.s32 $_tile_overlayer_lowered  }
0x9b: {  	s22 =	simm.s32 $0x1BFF;
	s21 =	sshll.u32 s6, $0x1;
	s3 =	sadd.s32 s4, s19  }
0x9c: {  	s7 =	simm.s32 $0x0;
	s20 =	sshll.u32 s5, $0x1;
	s5 =	sadd.s32 s21, s3  }
0x9d: {  	[timem:s7], [sflag:s22] =	dma.local [hbm:s5], s20  }
0x9e: {  	_ =	swait.ge [sflag:s22], s20  }
0x9f: {  	s4 =	ssub.s32 $0x0, s20;
	[sflag:s22] =	ssyncset.done $0x0  }
0xa0: {  	[sflag:s22] =	ssyncadd.s32 s4;
	_ =	sdelay $0x1  }
0xa1: {  	s23 =	simm.s32 $0x1B8B  }
0xa2: {  	_ =	swait.ge [sflag:s23], $0x1  }
0xa3: {  	[sflag:s23] =	ssyncset.done $0x0  }
0xa4: {  	s25 =	simm.s32 $0x1B8E;
	s24 =	sld [smem:$0x3FFE];
	[sflag:s23] =	ssyncadd.s32 $0xFFFFFFFF  }
0xa5: {  	s26 =	simm.s32 $execute0_lowered;
	[smem:$0x3FD2] =	sst s25  }
0xa6: {  	s5 =	sshll.u32 s26, $0x1;
	_ =	strace $0x80000046;
	[dreg:$0x1] =	wrdreg $0xFFFFFFFF  }
0xa7: {  	s28 =	simm.s32 $_size_execute0_lowered;
	s3 =	sadd.s32 s3, s5;
	[dreg:$0x0] =	wrdreg $0x0  }
0xa8: {  	s5 =	sshll.u32 s28, $0x1;
	[dreg:$0x2] =	wrdreg s3  }
0xa9: {  	[dreg:$0x3] =	wrdreg s5  }
0xaa: {  	[dreg:$0x4] =	wrdreg $0xC0  }
0xab: {  	_ =	task [dreg:s7], $0x5FFFF  }
0xac: {  	[dreg:$0x1] =	wrdreg $0xFFFFFFFF  }
0xad: {  	[dreg:$0x0] =	wrdreg $0x60  }
0xae: {  	[dreg:$0x2] =	wrdreg s2  }
0xaf: {  	[dreg:$0x3] =	wrdreg s24  }
0xb0: {  	[dreg:$0x4] =	wrdreg $0x0  }
0xb1: {  	[dreg:$0x5] =	wrdreg $0x9  }
0xb2: {  	_ =	task.clear_ibuf [dreg:s7], $0x6FFFF;
	_ =	strace $0x90000046  }
0xb3: {  	s29 =	simm.s32 $0x9;
	_ =	strace $0x80000048  }
0xb4: {  	_ =	swait.ge [sflag:s29], $0x1  }
0xb5: {  	[sflag:s29] =	ssyncadd.s32 $0xFFFFFFFF  }
0xb6: {  	_ =	strace $0x90000048  }
0xb7: {  	_ =	sfence  }
0xb8: {  	s30 =	sld [smem:$0x0];
	_ =	sdelay $0x2  }
0xb9: {  	s31 =	sshll.u32 s1, $0xD;
	s1 =	sshrl.u32 s1, $0x2  }
0xba: {  	s3 =	sand.u32 $0x4000, s31;
	s1 =	sadd.s32 s1, s30  }
0xbb: {  	s0 =	sor.u32 s3, s0;
	s1 =	sshll.u32 s1, $0x11  }
0xbc: {  	s0 =	sor.u32 s1, s0  }
0xbd: {  	s0 =	sadd.s32 $0x8F2B, s0  }
0xbe: {  	[sflag:s0] =	ssyncadd.remote.s32 $0x1  }
0xbf: {  	_ =	sfence.sel $0xFFFF  }
0xc0: {  	[dreg:$0x0] =	wrdreg $0xFFFFFFFF;
	(pc) =	sbr.abs _section_cstart, $3  }
0xc1: {  	[dreg:$0x1] =	wrdreg $0xFFFFFFFF  }
0xc2: {  	_ =	task.clear_ibuf [dreg:s7], $0x2FFFF;
	_ =	strace $0x9FFFFFFF  }
0xc3: {  	(tm) =	ssettm $0x7FFFFFFF  }
tec
execute0_lowered:
.L_overlay_start_1:
0x0: {  	(tag) =	ssettag $0x1  }
0x1: {  	s0 =	rddreg [dreg:$0x0]  }
0x2: {  	s1 =	srdreg.scid;
	s2 =	rddreg [dreg:$0x1]  }
0x3: {  	s3 =	rddreg [dreg:$0x2];
	s9 =	stileid.u32  }
0x4: {  	s4 =	simm.s32 $0x0;
	s14 =	simm.s32 $0x14800;
	s15 =	simm.s32 $0x3  }
0x5: {  	s16 =	simm.s32 $0x14000;
	s17 =	simm.s32 $0x14400;
	s28 =	simm.s32 $0x14200  }
0x6: {  	s29 =	simm.s32 $0x14580;
	s30 =	simm.s32 $0x14280;
	s7 =	smul.u32 $0x14000, s9  }
0x7: {  	s31 =	simm.s32 $0x14600;
	s10 =	simm.s32 $0x14380;
	s8 =	smul.u32 $0x50000, s9  }
0x8: {  	s11 =	simm.s32 $0x14700;
	s1 =	sand.u32 $0x1, s1;
	s21 =	smul.u32 $0x500, s9  }
0x9: {  	s12 =	simm.s32 $0x14780;
	[smem:$0x7FF] =	sst s4;
	s5 =	smul.u32 $0x5000, s1  }
0xa: {  	s6 =	smul.u32 $0x140000, s1;
	_ =	strace $0x80000047;
	s1 =	ssub.s32 $0x2, s1  }
0xb: {  	s18 =	sshrl.u32 s8, $0x2;
	s19 =	sshrl.u32 s1, $0x1;
	s5 =	sadd.s32 s5, s2  }
0xc: {  	s6 =	sadd.s32 s7, s6;
	s7 =	sadd.s32 s18, s3;
	s1 =	ssub.s32 s1, s19  }
0xd: {  	s18 =	simm.s32 $0x80;
	s20 =	sadd.s32 $0x4000, s7;
	[dreg:$0x5] =	wrdreg s7  }
0xe: {  	s19 =	simm.s32 $0x14080;
	s22 =	sadd.s32 $0x8000, s7;
	[dreg:$0x6] =	wrdreg s20  }
0xf: {  	s6 =	sshrl.u32 s6, $0x3;
	s23 =	sadd.s32 $0xC000, s7;
	[dreg:$0x7] =	wrdreg s22  }
0x10: {  	s7 =	sadd.s32 $0x10000, s7;
	s25 =	sadd.s32 s21, s5;
	[dreg:$0x8] =	wrdreg s23  }
0x11: {  	s1 =	smax.u32 s1, $0x1;
	s21 =	simm.s32 $0x1;
	[dreg:$0x9] =	wrdreg s7  }
0x12: {  	s2 =	sadd.s32 s6, s2;
	[dreg:$0xc] =	wrdreg s1;
	s13 =	sadd.s32 $0x1E00, s25  }
0x13: {  	s26 =	sadd.s32 $0xBE00, s25;
	s20 =	simm.s32 $0x18800;
	s22 =	simm.s32 $0x14100  }
0x14: {  	s23 =	simm.s32 $0x2;
	s25 =	simm.s32 $0x14180;
	s1 =	simm.s32 $0x14300  }
0x15: {  	s6 =	simm.s32 $0x0;
	s24 =	sadd.s32 $0x65E00, s2;
	[dreg:$0x4] =	wrdreg s26  }
0x16: {  	s2 =	sadd.s32 $0x15E00, s2;
	s26 =	simm.s32 $0x14500;
	[dreg:$0xa] =	wrdreg s24  }
0x17: {  	v0 =	vimm.f32 $0.0e+00;
	v1 =	vimm.f32 $1.000000000e+00;
	[dreg:$0xb] =	wrdreg s2;
	s24 =	simm.s32 $0x14480;
	s2 =	simm.s32 $0x14680  }
.LBB2_1:
0x18: {  	s5 =	simm.s32 $0x0;
	s7 =	simm.s32 $0x200  }
.LBB2_2:
0x19: {  	p0 =	sne.s32 s7, $0xFE00;
	[tilespmem:s5+$0x14870] =	vst v0  }
0x1a: {  	[tilespmem:s5+$0x14800] =	vst v0  }
0x1b: {  	[tilespmem:s5+$0x14810] =	vst v0  }
.Ltmp0:
0x1c: {  	[tilespmem:s5+$0x14820] =	vst v0;
	(pc) =	sbr.rel @p0 .LBB2_2-.Ltmp0, $4  }
0x1d: {  	[tilespmem:s5+$0x14830] =	vst v0  }
0x1e: {  	[tilespmem:s5+$0x14840] =	vst v0  }
0x1f: {  	[tilespmem:s5+$0x14850] =	vst v0  }
0x20: {  	[tilespmem:s5+$0x14860] =	vst v0;
	s5 =	sshra.s32 s7, $0x2;
	s7 =	sadd.s32 $0x200, s7  }
0x21: {  	[tilespmem:s5+$0x14870] =	vst v0  }
0x22: {  	[tilespmem:s5+$0x14800] =	vst v0  }
0x23: {  	[tilespmem:s5+$0x14810] =	vst v0  }
0x24: {  	[tilespmem:s5+$0x14820] =	vst v0  }
0x25: {  	[tilespmem:s5+$0x14830] =	vst v0  }
0x26: {  	[tilespmem:s5+$0x14840] =	vst v0  }
0x27: {  	[tilespmem:s5+$0x14850] =	vst v0  }
0x28: {  	[tilespmem:s5+$0x14860] =	vst v0;
	s5 =	simm.s32 $0x0;
	s7 =	simm.s32 $0x200  }
.LBB2_4:
0x29: {  	p0 =	sne.s32 s7, $0xFE00;
	[tilespmem:s5+$0x18870] =	vst v0  }
0x2a: {  	[tilespmem:s5+$0x18800] =	vst v0  }
0x2b: {  	[tilespmem:s5+$0x18810] =	vst v0  }
.Ltmp1:
0x2c: {  	[tilespmem:s5+$0x18820] =	vst v0;
	(pc) =	sbr.rel @p0 .LBB2_4-.Ltmp1, $4  }
0x2d: {  	[tilespmem:s5+$0x18830] =	vst v0  }
0x2e: {  	[tilespmem:s5+$0x18840] =	vst v0  }
0x2f: {  	[tilespmem:s5+$0x18850] =	vst v0  }
0x30: {  	[tilespmem:s5+$0x18860] =	vst v0;
	s5 =	sshra.s32 s7, $0x2;
	s7 =	sadd.s32 $0x200, s7  }
0x31: {  	[tilespmem:s5+$0x18870] =	vst v0  }
0x32: {  	[tilespmem:s5+$0x18800] =	vst v0  }
0x33: {  	[tilespmem:s5+$0x18810] =	vst v0  }
0x34: {  	[tilespmem:s5+$0x18820] =	vst v0  }
0x35: {  	[tilespmem:s5+$0x18830] =	vst v0  }
0x36: {  	[tilespmem:s5+$0x18840] =	vst v0  }
0x37: {  	[tilespmem:s5+$0x18850] =	vst v0  }
0x38: {  	[tilespmem:s5+$0x18860] =	vst v0;
	s9 =	rddreg [dreg:$0x5]  }
0x39: {  	[spmem:s9] =	stream.linear.scatter [tilespmem:s14], [sflag:$0x3], $0x4000, $0x38;
	[tilespmem:$0x1C800] =	vst v63  }
0x3a: {  	_ =	swait.ge [sflag:s15], $0x4000  }
0x3b: {  	[sflag:s15] =	ssyncset.done $0x0  }
0x3c: {  	s7 =	rddreg [dreg:$0x6];
	[sflag:s15] =	ssyncadd.s32 $0xFFFFC000  }
0x3d: {  	[spmem:s7] =	stream.linear.scatter [tilespmem:s14], [sflag:$0x3], $0x4000, $0x38;
	[tilespmem:$0x1C800] =	vst v63  }
0x3e: {  	_ =	swait.ge [sflag:s15], $0x4000  }
0x3f: {  	[sflag:s15] =	ssyncset.done $0x0  }
0x40: {  	s8 =	rddreg [dreg:$0x7];
	[sflag:s15] =	ssyncadd.s32 $0xFFFFC000  }
0x41: {  	[spmem:s8] =	stream.linear.scatter [tilespmem:s14], [sflag:$0x3], $0x4000, $0x38;
	[tilespmem:$0x1C800] =	vst v63  }
0x42: {  	_ =	swait.ge [sflag:s15], $0x4000  }
0x43: {  	[sflag:s15] =	ssyncset.done $0x0  }
0x44: {  	s9 =	rddreg [dreg:$0x8];
	[sflag:s15] =	ssyncadd.s32 $0xFFFFC000  }
0x45: {  	[spmem:s9] =	stream.linear.scatter [tilespmem:s14], [sflag:$0x3], $0x4000, $0x38;
	[tilespmem:$0x1C800] =	vst v63  }
0x46: {  	_ =	swait.ge [sflag:s15], $0x4000  }
0x47: {  	[sflag:s15] =	ssyncset.done $0x0  }
0x48: {  	s7 =	rddreg [dreg:$0x9];
	[sflag:s15] =	ssyncadd.s32 $0xFFFFC000  }
0x49: {  	[spmem:s7] =	stream.linear.scatter [tilespmem:s14], [sflag:$0x3], $0x4000, $0x38;
	[tilespmem:$0x1C800] =	vst v63  }
0x4a: {  	_ =	swait.ge [sflag:s15], $0x4000  }
0x4b: {  	[sflag:s15] =	ssyncset.done $0x0  }
0x4c: {  	[sflag:s15] =	ssyncadd.s32 $0xFFFFC000  }
0x4d: {  	[bflag:$0x0] =	sbarrier.arrive $0xFFFF  }
0x4e: {  	s8 =	rddreg [dreg:$0x4]  }
0x4f: {  	s5 =	sadd.s32 $0x0, s8  }
0x50: {  	[tilespmem:s16], [sflag:$0x3] =	stream.linear.gather [hbm4b:s5+s4], $0x400, $0x38;
	[tilespmem:$0x1C800] =	vst v63  }
0x51: {  	_ =	swait.ge [sflag:s15], $0x400  }
0x52: {  	[sflag:s15] =	ssyncset.done $0x0  }
0x53: {  	s9 =	sadd.s32 $0x0, s13;
	[sflag:s15] =	ssyncadd.s32 $0xFFFFFC00  }
0x54: {  	[tilespmem:s17], [sflag:$0x3] =	stream.linear.gather [hbm4b:s9+s4], $0x400, $0x38;
	[tilespmem:$0x1C800] =	vst v63  }
0x55: {  	_ =	swait.ge [sflag:s15], $0x400  }
0x56: {  	[sflag:s15] =	ssyncset.done $0x0  }
0x57: {  	[sflag:s15] =	ssyncadd.s32 $0xFFFFFC00  }
0x58: {  	[tilespmem:s14], [sflag:$0x1] =	stream.indirect.gather [hbm4b:s0+s18], $0x80, s16, s18, $0xb8;
	[tilespmem:$0x1C800] =	vst v63  }
0x59: {  	_ = 	snop  }
0x5a: {  	[tilespmem:s20], [sflag:$0x2] =	stream.indirect.gather [hbm4b:s0+s18], $0x80, s19, s18, $0xb8;
	[tilespmem:$0x1C800] =	vst v63  }
0x5b: {  	_ =	swait.ge [sflag:s21], $0x4000  }
0x5c: {  	[sflag:s21] =	ssyncset.done $0x0  }
0x5d: {  	[sflag:s21] =	ssyncadd.s32 $0xFFFFC000  }
0x5e: {  	[spmem:s3] =	stream.indirect.scatter.add.f32 [tilespmem:s14], [sflag:$0x3], $0x80, s17, s18, $0xb8;
	[tilespmem:$0x1C800] =	vst v63  }
0x5f: {  	_ =	swait.ge [sflag:s15], $0x4000  }
0x60: {  	[sflag:s15] =	ssyncset.done $0x0  }
0x61: {  	[sflag:s15] =	ssyncadd.s32 $0xFFFFC000  }
0x62: {  	[tilespmem:s14], [sflag:$0x1] =	stream.indirect.gather [hbm4b:s0+s18], $0x80, s22, s18, $0xb8;
	[tilespmem:$0x1C800] =	vst v63  }
0x63: {  	_ =	swait.ge [sflag:s23], $0x4000  }
0x64: {  	[sflag:s23] =	ssyncset.done $0x0  }
0x65: {  	[sflag:s23] =	ssyncadd.s32 $0xFFFFC000  }
0x66: {  	[spmem:s3] =	stream.indirect.scatter.add.f32 [tilespmem:s20], [sflag:$0x3], $0x80, s24, s18, $0xb8;
	[tilespmem:$0x1C800] =	vst v63  }
0x67: {  	_ =	swait.ge [sflag:s15], $0x4000  }
0x68: {  	[sflag:s15] =	ssyncset.done $0x0  }
0x69: {  	[sflag:s15] =	ssyncadd.s32 $0xFFFFC000  }
0x6a: {  	[tilespmem:s20], [sflag:$0x2] =	stream.indirect.gather [hbm4b:s0+s18], $0x80, s25, s18, $0xb8;
	[tilespmem:$0x1C800] =	vst v63  }
0x6b: {  	_ =	swait.ge [sflag:s21], $0x4000  }
0x6c: {  	[sflag:s21] =	ssyncset.done $0x0  }
0x6d: {  	[sflag:s21] =	ssyncadd.s32 $0xFFFFC000  }
0x6e: {  	[spmem:s3] =	stream.indirect.scatter.add.f32 [tilespmem:s14], [sflag:$0x3], $0x80, s26, s18, $0xb8;
	[tilespmem:$0x1C800] =	vst v63  }
0x6f: {  	_ =	swait.ge [sflag:s15], $0x4000  }
0x70: {  	[sflag:s15] =	ssyncset.done $0x0  }
0x71: {  	[sflag:s15] =	ssyncadd.s32 $0xFFFFC000  }
0x72: {  	[tilespmem:s14], [sflag:$0x1] =	stream.indirect.gather [hbm4b:s0+s18], $0x80, s28, s18, $0xb8;
	[tilespmem:$0x1C800] =	vst v63  }
0x73: {  	_ =	swait.ge [sflag:s23], $0x4000  }
0x74: {  	[sflag:s23] =	ssyncset.done $0x0  }
0x75: {  	[sflag:s23] =	ssyncadd.s32 $0xFFFFC000  }
0x76: {  	[spmem:s3] =	stream.indirect.scatter.add.f32 [tilespmem:s20], [sflag:$0x3], $0x80, s29, s18, $0xb8;
	[tilespmem:$0x1C800] =	vst v63  }
0x77: {  	_ =	swait.ge [sflag:s15], $0x4000  }
0x78: {  	[sflag:s15] =	ssyncset.done $0x0  }
0x79: {  	[sflag:s15] =	ssyncadd.s32 $0xFFFFC000  }
0x7a: {  	[tilespmem:s20], [sflag:$0x2] =	stream.indirect.gather [hbm4b:s0+s18], $0x80, s30, s18, $0xb8;
	[tilespmem:$0x1C800] =	vst v63  }
0x7b: {  	_ =	swait.ge [sflag:s21], $0x4000  }
0x7c: {  	[sflag:s21] =	ssyncset.done $0x0  }
0x7d: {  	[sflag:s21] =	ssyncadd.s32 $0xFFFFC000  }
0x7e: {  	[spmem:s3] =	stream.indirect.scatter.add.f32 [tilespmem:s14], [sflag:$0x3], $0x80, s31, s18, $0xb8;
	[tilespmem:$0x1C800] =	vst v63  }
0x7f: {  	_ =	swait.ge [sflag:s15], $0x4000  }
0x80: {  	[sflag:s15] =	ssyncset.done $0x0  }
0x81: {  	[sflag:s15] =	ssyncadd.s32 $0xFFFFC000  }
0x82: {  	[tilespmem:s14], [sflag:$0x1] =	stream.indirect.gather [hbm4b:s0+s18], $0x80, s1, s18, $0xb8;
	[tilespmem:$0x1C800] =	vst v63  }
0x83: {  	_ =	swait.ge [sflag:s23], $0x4000  }
0x84: {  	[sflag:s23] =	ssyncset.done $0x0  }
0x85: {  	[sflag:s23] =	ssyncadd.s32 $0xFFFFC000  }
0x86: {  	[spmem:s3] =	stream.indirect.scatter.add.f32 [tilespmem:s20], [sflag:$0x3], $0x80, s2, s18, $0xb8;
	[tilespmem:$0x1C800] =	vst v63  }
0x87: {  	_ =	swait.ge [sflag:s15], $0x4000  }
0x88: {  	[sflag:s15] =	ssyncset.done $0x0  }
0x89: {  	[sflag:s15] =	ssyncadd.s32 $0xFFFFC000  }
0x8a: {  	[tilespmem:s20], [sflag:$0x2] =	stream.indirect.gather [hbm4b:s0+s18], $0x80, s10, s18, $0xb8;
	[tilespmem:$0x1C800] =	vst v63  }
0x8b: {  	_ =	swait.ge [sflag:s21], $0x4000  }
0x8c: {  	[sflag:s21] =	ssyncset.done $0x0  }
0x8d: {  	[sflag:s21] =	ssyncadd.s32 $0xFFFFC000  }
0x8e: {  	[spmem:s3] =	stream.indirect.scatter.add.f32 [tilespmem:s14], [sflag:$0x3], $0x80, s11, s18, $0xb8;
	[tilespmem:$0x1C800] =	vst v63  }
0x8f: {  	_ =	swait.ge [sflag:s15], $0x4000  }
0x90: {  	[sflag:s15] =	ssyncset.done $0x0  }
0x91: {  	[sflag:s15] =	ssyncadd.s32 $0xFFFFC000  }
0x92: {  	_ =	swait.ge [sflag:s23], $0x4000  }
0x93: {  	[sflag:s23] =	ssyncset.done $0x0  }
0x94: {  	[sflag:s23] =	ssyncadd.s32 $0xFFFFC000  }
0x95: {  	[spmem:s3] =	stream.indirect.scatter.add.f32 [tilespmem:s20], [sflag:$0x3], $0x80, s12, s18, $0xb8;
	[tilespmem:$0x1C800] =	vst v63  }
0x96: {  	s7 =	simm.s32 $0x80;
	_ =	swait.ge [sflag:s15], $0x4000  }
.LBB2_6:
0x97: {  	s5 =	rddreg [dreg:$0x4];
	s8 =	smov.u32 s7;
	[sflag:s15] =	ssyncset.done $0x0  }
0x98: {  	s5 =	sadd.s32 s8, s5;
	[sflag:s15] =	ssyncadd.s32 $0xFFFFC000  }
0x99: {  	[tilespmem:s16], [sflag:$0x3] =	stream.linear.gather [hbm4b:s5+s4], $0x400, $0x38;
	[tilespmem:$0x1C800] =	vst v63  }
0x9a: {  	_ =	swait.ge [sflag:s15], $0x400  }
0x9b: {  	[sflag:s15] =	ssyncset.done $0x0  }
0x9c: {  	s9 =	sadd.s32 s8, s13;
	[sflag:s15] =	ssyncadd.s32 $0xFFFFFC00  }
0x9d: {  	[tilespmem:s17], [sflag:$0x3] =	stream.linear.gather [hbm4b:s9+s4], $0x400, $0x38;
	[tilespmem:$0x1C800] =	vst v63  }
0x9e: {  	_ =	swait.ge [sflag:s15], $0x400  }
0x9f: {  	[sflag:s15] =	ssyncset.done $0x0  }
0xa0: {  	[sflag:s15] =	ssyncadd.s32 $0xFFFFFC00  }
0xa1: {  	[tilespmem:s14], [sflag:$0x1] =	stream.indirect.gather [hbm4b:s0+s18], $0x80, s16, s18, $0xb8;
	[tilespmem:$0x1C800] =	vst v63  }
0xa2: {  	_ = 	snop  }
0xa3: {  	[tilespmem:s20], [sflag:$0x2] =	stream.indirect.gather [hbm4b:s0+s18], $0x80, s19, s18, $0xb8;
	[tilespmem:$0x1C800] =	vst v63  }
0xa4: {  	_ =	swait.ge [sflag:s21], $0x4000  }
0xa5: {  	[sflag:s21] =	ssyncset.done $0x0  }
0xa6: {  	[sflag:s21] =	ssyncadd.s32 $0xFFFFC000  }
0xa7: {  	[spmem:s3] =	stream.indirect.scatter.add.f32 [tilespmem:s14], [sflag:$0x3], $0x80, s17, s18, $0xb8;
	[tilespmem:$0x1C800] =	vst v63  }
0xa8: {  	_ =	swait.ge [sflag:s15], $0x4000  }
0xa9: {  	[sflag:s15] =	ssyncset.done $0x0  }
0xaa: {  	[sflag:s15] =	ssyncadd.s32 $0xFFFFC000  }
0xab: {  	[tilespmem:s14], [sflag:$0x1] =	stream.indirect.gather [hbm4b:s0+s18], $0x80, s22, s18, $0xb8;
	[tilespmem:$0x1C800] =	vst v63  }
0xac: {  	_ =	swait.ge [sflag:s23], $0x4000  }
0xad: {  	[sflag:s23] =	ssyncset.done $0x0  }
0xae: {  	[sflag:s23] =	ssyncadd.s32 $0xFFFFC000  }
0xaf: {  	[spmem:s3] =	stream.indirect.scatter.add.f32 [tilespmem:s20], [sflag:$0x3], $0x80, s24, s18, $0xb8;
	[tilespmem:$0x1C800] =	vst v63  }
0xb0: {  	_ =	swait.ge [sflag:s15], $0x4000  }
0xb1: {  	[sflag:s15] =	ssyncset.done $0x0  }
0xb2: {  	[sflag:s15] =	ssyncadd.s32 $0xFFFFC000  }
0xb3: {  	[tilespmem:s20], [sflag:$0x2] =	stream.indirect.gather [hbm4b:s0+s18], $0x80, s25, s18, $0xb8;
	[tilespmem:$0x1C800] =	vst v63  }
0xb4: {  	_ =	swait.ge [sflag:s21], $0x4000  }
0xb5: {  	[sflag:s21] =	ssyncset.done $0x0  }
0xb6: {  	[sflag:s21] =	ssyncadd.s32 $0xFFFFC000  }
0xb7: {  	[spmem:s3] =	stream.indirect.scatter.add.f32 [tilespmem:s14], [sflag:$0x3], $0x80, s26, s18, $0xb8;
	[tilespmem:$0x1C800] =	vst v63  }
0xb8: {  	_ =	swait.ge [sflag:s15], $0x4000  }
0xb9: {  	[sflag:s15] =	ssyncset.done $0x0  }
0xba: {  	[sflag:s15] =	ssyncadd.s32 $0xFFFFC000  }
0xbb: {  	[tilespmem:s14], [sflag:$0x1] =	stream.indirect.gather [hbm4b:s0+s18], $0x80, s28, s18, $0xb8;
	[tilespmem:$0x1C800] =	vst v63  }
0xbc: {  	_ =	swait.ge [sflag:s23], $0x4000  }
0xbd: {  	[sflag:s23] =	ssyncset.done $0x0  }
0xbe: {  	[sflag:s23] =	ssyncadd.s32 $0xFFFFC000  }
0xbf: {  	[spmem:s3] =	stream.indirect.scatter.add.f32 [tilespmem:s20], [sflag:$0x3], $0x80, s29, s18, $0xb8;
	[tilespmem:$0x1C800] =	vst v63  }
0xc0: {  	_ =	swait.ge [sflag:s15], $0x4000  }
0xc1: {  	[sflag:s15] =	ssyncset.done $0x0  }
0xc2: {  	[sflag:s15] =	ssyncadd.s32 $0xFFFFC000  }
0xc3: {  	[tilespmem:s20], [sflag:$0x2] =	stream.indirect.gather [hbm4b:s0+s18], $0x80, s30, s18, $0xb8;
	[tilespmem:$0x1C800] =	vst v63  }
0xc4: {  	_ =	swait.ge [sflag:s21], $0x4000  }
0xc5: {  	[sflag:s21] =	ssyncset.done $0x0  }
0xc6: {  	[sflag:s21] =	ssyncadd.s32 $0xFFFFC000  }
0xc7: {  	[spmem:s3] =	stream.indirect.scatter.add.f32 [tilespmem:s14], [sflag:$0x3], $0x80, s31, s18, $0xb8;
	[tilespmem:$0x1C800] =	vst v63  }
0xc8: {  	_ =	swait.ge [sflag:s15], $0x4000  }
0xc9: {  	[sflag:s15] =	ssyncset.done $0x0  }
0xca: {  	[sflag:s15] =	ssyncadd.s32 $0xFFFFC000  }
0xcb: {  	[tilespmem:s14], [sflag:$0x1] =	stream.indirect.gather [hbm4b:s0+s18], $0x80, s1, s18, $0xb8;
	[tilespmem:$0x1C800] =	vst v63  }
0xcc: {  	_ =	swait.ge [sflag:s23], $0x4000  }
0xcd: {  	[sflag:s23] =	ssyncset.done $0x0  }
0xce: {  	[sflag:s23] =	ssyncadd.s32 $0xFFFFC000  }
0xcf: {  	[spmem:s3] =	stream.indirect.scatter.add.f32 [tilespmem:s20], [sflag:$0x3], $0x80, s2, s18, $0xb8;
	[tilespmem:$0x1C800] =	vst v63  }
0xd0: {  	_ =	swait.ge [sflag:s15], $0x4000  }
0xd1: {  	[sflag:s15] =	ssyncset.done $0x0  }
0xd2: {  	[sflag:s15] =	ssyncadd.s32 $0xFFFFC000  }
0xd3: {  	[tilespmem:s20], [sflag:$0x2] =	stream.indirect.gather [hbm4b:s0+s18], $0x80, s10, s18, $0xb8;
	[tilespmem:$0x1C800] =	vst v63  }
0xd4: {  	_ =	swait.ge [sflag:s21], $0x4000  }
0xd5: {  	[sflag:s21] =	ssyncset.done $0x0  }
0xd6: {  	[sflag:s21] =	ssyncadd.s32 $0xFFFFC000  }
0xd7: {  	[spmem:s3] =	stream.indirect.scatter.add.f32 [tilespmem:s14], [sflag:$0x3], $0x80, s11, s18, $0xb8;
	[tilespmem:$0x1C800] =	vst v63  }
0xd8: {  	_ =	swait.ge [sflag:s15], $0x4000  }
0xd9: {  	[sflag:s15] =	ssyncset.done $0x0  }
0xda: {  	p0 =	sne.s32 s7, $0x480;
	[sflag:s15] =	ssyncadd.s32 $0xFFFFC000  }
.Ltmp2:
0xdb: {  	_ =	swait.ge [sflag:s23], $0x4000;
	(pc) =	sbr.rel @p0 .LBB2_6-.Ltmp2, $4  }
0xdc: {  	[sflag:s23] =	ssyncset.done $0x0  }
0xdd: {  	[sflag:s23] =	ssyncadd.s32 $0xFFFFC000  }
0xde: {  	[spmem:s3] =	stream.indirect.scatter.add.f32 [tilespmem:s20], [sflag:$0x3], $0x80, s12, s18, $0xb8;
	[tilespmem:$0x1C800] =	vst v63  }
0xdf: {  	s7 =	sadd.s32 $0x80, s7;
	_ =	swait.ge [sflag:s15], $0x4000  }
0xe0: {  	[sflag:s15] =	ssyncset.done $0x0  }
0xe1: {  	[sflag:s15] =	ssyncadd.s32 $0xFFFFC000  }
0xe2: {  	s5 =	stileid.u32;
	[bflag:$0x0] =	sbarrier.arrive $0xFFFF  }
0xe3: {  	s5 =	sshll.u32 s5, $0x6;
	s8 =	rddreg [dreg:$0x5]  }
0xe4: {  	s7 =	sor.u32 $0x1C03, s5;
	s9 =	rddreg [dreg:$0xa]  }
0xe5: {  	[dreg:$0xd] =	wrdreg s7;
	s8 =	sshrl.u32 s8, $0x3  }
0xe6: {  	[dreg:$0xe] =	wrdreg s8  }
0xe7: {  	[hbm:s9], [sflag:s7] =	dma.local [spmem:s8], $0x2800  }
0xe8: {  	_ =	swait.ge [sflag:s15], $0x2800  }
0xe9: {  	[sflag:s15] =	ssyncset.done $0x0  }
0xea: {  	[sflag:s15] =	ssyncadd.s32 $0xFFFFD800  }
0xeb: {  	s5 =	simm.s32 $0x0;
	s9 =	simm.s32 $0x200;
	[bflag:$0x0] =	sbarrier.arrive $0xFFFF  }
.LBB2_8:
0xec: {  	p0 =	sne.s32 s9, $0xFE00;
	[tilespmem:s5+$0x14870] =	vst v0  }
0xed: {  	[tilespmem:s5+$0x14800] =	vst v0  }
0xee: {  	[tilespmem:s5+$0x14810] =	vst v0  }
.Ltmp3:
0xef: {  	[tilespmem:s5+$0x14820] =	vst v0;
	(pc) =	sbr.rel @p0 .LBB2_8-.Ltmp3, $4  }
0xf0: {  	[tilespmem:s5+$0x14830] =	vst v0  }
0xf1: {  	[tilespmem:s5+$0x14840] =	vst v0  }
0xf2: {  	[tilespmem:s5+$0x14850] =	vst v0  }
0xf3: {  	[tilespmem:s5+$0x14860] =	vst v0;
	s5 =	sshra.s32 s9, $0x2;
	s9 =	sadd.s32 $0x200, s9  }
0xf4: {  	[tilespmem:s5+$0x14870] =	vst v0  }
0xf5: {  	[tilespmem:s5+$0x14800] =	vst v0  }
0xf6: {  	[tilespmem:s5+$0x14810] =	vst v0  }
0xf7: {  	[tilespmem:s5+$0x14820] =	vst v0  }
0xf8: {  	[tilespmem:s5+$0x14830] =	vst v0  }
0xf9: {  	[tilespmem:s5+$0x14840] =	vst v0  }
0xfa: {  	[tilespmem:s5+$0x14850] =	vst v0  }
0xfb: {  	[tilespmem:s5+$0x14860] =	vst v0;
	s8 =	rddreg [dreg:$0x5]  }
0xfc: {  	[spmem:s8] =	stream.linear.scatter [tilespmem:s14], [sflag:$0x3], $0x4000, $0x38;
	[tilespmem:$0x1C800] =	vst v63  }
0xfd: {  	_ =	swait.ge [sflag:s15], $0x4000  }
0xfe: {  	[sflag:s15] =	ssyncset.done $0x0  }
0xff: {  	s9 =	rddreg [dreg:$0x6];
	[sflag:s15] =	ssyncadd.s32 $0xFFFFC000  }
0x100: {  	[spmem:s9] =	stream.linear.scatter [tilespmem:s14], [sflag:$0x3], $0x4000, $0x38;
	[tilespmem:$0x1C800] =	vst v63  }
0x101: {  	_ =	swait.ge [sflag:s15], $0x4000  }
0x102: {  	[sflag:s15] =	ssyncset.done $0x0  }
0x103: {  	s7 =	rddreg [dreg:$0x7];
	[sflag:s15] =	ssyncadd.s32 $0xFFFFC000  }
0x104: {  	[spmem:s7] =	stream.linear.scatter [tilespmem:s14], [sflag:$0x3], $0x4000, $0x38;
	[tilespmem:$0x1C800] =	vst v63  }
0x105: {  	_ =	swait.ge [sflag:s15], $0x4000  }
0x106: {  	[sflag:s15] =	ssyncset.done $0x0  }
0x107: {  	s8 =	rddreg [dreg:$0x8];
	[sflag:s15] =	ssyncadd.s32 $0xFFFFC000  }
0x108: {  	[spmem:s8] =	stream.linear.scatter [tilespmem:s14], [sflag:$0x3], $0x4000, $0x38;
	[tilespmem:$0x1C800] =	vst v63  }
0x109: {  	_ =	swait.ge [sflag:s15], $0x4000  }
0x10a: {  	[sflag:s15] =	ssyncset.done $0x0  }
0x10b: {  	s9 =	rddreg [dreg:$0x9];
	[sflag:s15] =	ssyncadd.s32 $0xFFFFC000  }
0x10c: {  	[spmem:s9] =	stream.linear.scatter [tilespmem:s14], [sflag:$0x3], $0x4000, $0x38;
	[tilespmem:$0x1C800] =	vst v63  }
0x10d: {  	_ =	swait.ge [sflag:s15], $0x4000  }
0x10e: {  	[sflag:s15] =	ssyncset.done $0x0  }
0x10f: {  	[sflag:s15] =	ssyncadd.s32 $0xFFFFC000  }
0x110: {  	s5 =	simm.s32 $0x0;
	s9 =	simm.s32 $0x200;
	[bflag:$0x0] =	sbarrier.arrive $0xFFFF  }
.LBB2_10:
0x111: {  	p0 =	sne.s32 s9, $0xFE00;
	[tilespmem:s5+$0x14870] =	vst v1  }
0x112: {  	[tilespmem:s5+$0x14800] =	vst v1  }
0x113: {  	[tilespmem:s5+$0x14810] =	vst v1  }
.Ltmp4:
0x114: {  	[tilespmem:s5+$0x14820] =	vst v1;
	(pc) =	sbr.rel @p0 .LBB2_10-.Ltmp4, $4  }
0x115: {  	[tilespmem:s5+$0x14830] =	vst v1  }
0x116: {  	[tilespmem:s5+$0x14840] =	vst v1  }
0x117: {  	[tilespmem:s5+$0x14850] =	vst v1  }
0x118: {  	[tilespmem:s5+$0x14860] =	vst v1;
	s5 =	sshra.s32 s9, $0x2;
	s9 =	sadd.s32 $0x200, s9  }
0x119: {  	[tilespmem:s5+$0x14870] =	vst v1  }
0x11a: {  	[tilespmem:s5+$0x14800] =	vst v1  }
0x11b: {  	[tilespmem:s5+$0x14810] =	vst v1  }
0x11c: {  	[tilespmem:s5+$0x14820] =	vst v1  }
0x11d: {  	[tilespmem:s5+$0x14830] =	vst v1  }
0x11e: {  	[tilespmem:s5+$0x14840] =	vst v1  }
0x11f: {  	[tilespmem:s5+$0x14850] =	vst v1  }
0x120: {  	[tilespmem:s5+$0x14860] =	vst v1;
	s9 =	sadd.s32 $0x0, s13  }
0x121: {  	[tilespmem:s17], [sflag:$0x3] =	stream.linear.gather [hbm4b:s9+s4], $0x400, $0x38;
	[tilespmem:$0x1C800] =	vst v63  }
0x122: {  	_ =	swait.ge [sflag:s15], $0x400  }
0x123: {  	[sflag:s15] =	ssyncset.done $0x0  }
0x124: {  	[sflag:s15] =	ssyncadd.s32 $0xFFFFFC00  }
0x125: {  	[spmem:s3] =	stream.indirect.scatter.add.f32 [tilespmem:s14], [sflag:$0x3], $0x80, s17, s18, $0xb8;
	[tilespmem:$0x1C800] =	vst v63  }
0x126: {  	_ =	swait.ge [sflag:s15], $0x4000  }
0x127: {  	[sflag:s15] =	ssyncset.done $0x0  }
0x128: {  	[sflag:s15] =	ssyncadd.s32 $0xFFFFC000  }
0x129: {  	[spmem:s3] =	stream.indirect.scatter.add.f32 [tilespmem:s14], [sflag:$0x3], $0x80, s24, s18, $0xb8;
	[tilespmem:$0x1C800] =	vst v63  }
0x12a: {  	_ =	swait.ge [sflag:s15], $0x4000  }
0x12b: {  	[sflag:s15] =	ssyncset.done $0x0  }
0x12c: {  	[sflag:s15] =	ssyncadd.s32 $0xFFFFC000  }
0x12d: {  	[spmem:s3] =	stream.indirect.scatter.add.f32 [tilespmem:s14], [sflag:$0x3], $0x80, s26, s18, $0xb8;
	[tilespmem:$0x1C800] =	vst v63  }
0x12e: {  	_ =	swait.ge [sflag:s15], $0x4000  }
0x12f: {  	[sflag:s15] =	ssyncset.done $0x0  }
0x130: {  	[sflag:s15] =	ssyncadd.s32 $0xFFFFC000  }
0x131: {  	[spmem:s3] =	stream.indirect.scatter.add.f32 [tilespmem:s14], [sflag:$0x3], $0x80, s29, s18, $0xb8;
	[tilespmem:$0x1C800] =	vst v63  }
0x132: {  	_ =	swait.ge [sflag:s15], $0x4000  }
0x133: {  	[sflag:s15] =	ssyncset.done $0x0  }
0x134: {  	[sflag:s15] =	ssyncadd.s32 $0xFFFFC000  }
0x135: {  	[spmem:s3] =	stream.indirect.scatter.add.f32 [tilespmem:s14], [sflag:$0x3], $0x80, s31, s18, $0xb8;
	[tilespmem:$0x1C800] =	vst v63  }
0x136: {  	_ =	swait.ge [sflag:s15], $0x4000  }
0x137: {  	[sflag:s15] =	ssyncset.done $0x0  }
0x138: {  	[sflag:s15] =	ssyncadd.s32 $0xFFFFC000  }
0x139: {  	[spmem:s3] =	stream.indirect.scatter.add.f32 [tilespmem:s14], [sflag:$0x3], $0x80, s2, s18, $0xb8;
	[tilespmem:$0x1C800] =	vst v63  }
0x13a: {  	_ =	swait.ge [sflag:s15], $0x4000  }
0x13b: {  	[sflag:s15] =	ssyncset.done $0x0  }
0x13c: {  	[sflag:s15] =	ssyncadd.s32 $0xFFFFC000  }
0x13d: {  	[spmem:s3] =	stream.indirect.scatter.add.f32 [tilespmem:s14], [sflag:$0x3], $0x80, s11, s18, $0xb8;
	[tilespmem:$0x1C800] =	vst v63  }
0x13e: {  	_ =	swait.ge [sflag:s15], $0x4000  }
0x13f: {  	[sflag:s15] =	ssyncset.done $0x0  }
0x140: {  	[sflag:s15] =	ssyncadd.s32 $0xFFFFC000  }
0x141: {  	[spmem:s3] =	stream.indirect.scatter.add.f32 [tilespmem:s14], [sflag:$0x3], $0x80, s12, s18, $0xb8;
	[tilespmem:$0x1C800] =	vst v63  }
0x142: {  	_ =	swait.ge [sflag:s15], $0x4000  }
0x143: {  	s5 =	simm.s32 $0x100;
	s9 =	simm.s32 $0x80;
	[sflag:s15] =	ssyncset.done $0x0  }
.LBB2_12:
0x144: {  	s8 =	sadd.s32 s9, s13  }
0x145: {  	[sflag:s15] =	ssyncadd.s32 $0xFFFFC000;
	s9 =	smov.u32 s5;
	s7 =	sadd.s32 $0x80, s5  }
0x146: {  	[tilespmem:s17], [sflag:$0x3] =	stream.linear.gather [hbm4b:s8+s4], $0x400, $0x38;
	[tilespmem:$0x1C800] =	vst v63  }
0x147: {  	p0 =	sne.s32 s5, $0x480;
	_ =	swait.ge [sflag:s15], $0x400  }
0x148: {  	[sflag:s15] =	ssyncset.done $0x0  }
0x149: {  	[sflag:s15] =	ssyncadd.s32 $0xFFFFFC00  }
0x14a: {  	[spmem:s3] =	stream.indirect.scatter.add.f32 [tilespmem:s14], [sflag:$0x3], $0x80, s17, s18, $0xb8;
	[tilespmem:$0x1C800] =	vst v63  }
0x14b: {  	_ =	swait.ge [sflag:s15], $0x4000  }
0x14c: {  	[sflag:s15] =	ssyncset.done $0x0  }
0x14d: {  	[sflag:s15] =	ssyncadd.s32 $0xFFFFC000  }
0x14e: {  	[spmem:s3] =	stream.indirect.scatter.add.f32 [tilespmem:s14], [sflag:$0x3], $0x80, s24, s18, $0xb8;
	[tilespmem:$0x1C800] =	vst v63  }
0x14f: {  	_ =	swait.ge [sflag:s15], $0x4000  }
0x150: {  	[sflag:s15] =	ssyncset.done $0x0  }
0x151: {  	[sflag:s15] =	ssyncadd.s32 $0xFFFFC000  }
0x152: {  	[spmem:s3] =	stream.indirect.scatter.add.f32 [tilespmem:s14], [sflag:$0x3], $0x80, s26, s18, $0xb8;
	[tilespmem:$0x1C800] =	vst v63  }
0x153: {  	_ =	swait.ge [sflag:s15], $0x4000  }
0x154: {  	[sflag:s15] =	ssyncset.done $0x0  }
0x155: {  	[sflag:s15] =	ssyncadd.s32 $0xFFFFC000  }
0x156: {  	[spmem:s3] =	stream.indirect.scatter.add.f32 [tilespmem:s14], [sflag:$0x3], $0x80, s29, s18, $0xb8;
	[tilespmem:$0x1C800] =	vst v63  }
0x157: {  	_ =	swait.ge [sflag:s15], $0x4000  }
0x158: {  	[sflag:s15] =	ssyncset.done $0x0  }
0x159: {  	[sflag:s15] =	ssyncadd.s32 $0xFFFFC000  }
0x15a: {  	[spmem:s3] =	stream.indirect.scatter.add.f32 [tilespmem:s14], [sflag:$0x3], $0x80, s31, s18, $0xb8;
	[tilespmem:$0x1C800] =	vst v63  }
0x15b: {  	_ =	swait.ge [sflag:s15], $0x4000  }
0x15c: {  	[sflag:s15] =	ssyncset.done $0x0  }
0x15d: {  	[sflag:s15] =	ssyncadd.s32 $0xFFFFC000  }
0x15e: {  	[spmem:s3] =	stream.indirect.scatter.add.f32 [tilespmem:s14], [sflag:$0x3], $0x80, s2, s18, $0xb8;
	[tilespmem:$0x1C800] =	vst v63  }
0x15f: {  	_ =	swait.ge [sflag:s15], $0x4000  }
0x160: {  	[sflag:s15] =	ssyncset.done $0x0  }
0x161: {  	[sflag:s15] =	ssyncadd.s32 $0xFFFFC000  }
0x162: {  	[spmem:s3] =	stream.indirect.scatter.add.f32 [tilespmem:s14], [sflag:$0x3], $0x80, s11, s18, $0xb8;
	[tilespmem:$0x1C800] =	vst v63  }
0x163: {  	_ =	swait.ge [sflag:s15], $0x4000  }
.Ltmp5:
0x164: {  	[sflag:s15] =	ssyncset.done $0x0;
	(pc) =	sbr.rel @p0 .LBB2_12-.Ltmp5, $4  }
0x165: {  	[sflag:s15] =	ssyncadd.s32 $0xFFFFC000  }
0x166: {  	[spmem:s3] =	stream.indirect.scatter.add.f32 [tilespmem:s14], [sflag:$0x3], $0x80, s12, s18, $0xb8;
	[tilespmem:$0x1C800] =	vst v63  }
0x167: {  	_ =	swait.ge [sflag:s15], $0x4000  }
0x168: {  	s5 =	smov.u32 s7;
	[sflag:s15] =	ssyncset.done $0x0  }
0x169: {  	s5 =	sadd.s32 s9, s13;
	[sflag:s15] =	ssyncadd.s32 $0xFFFFC000  }
0x16a: {  	[tilespmem:s17], [sflag:$0x3] =	stream.linear.gather [hbm4b:s5+s4], $0x400, $0x38;
	[tilespmem:$0x1C800] =	vst v63  }
0x16b: {  	_ =	swait.ge [sflag:s15], $0x400  }
0x16c: {  	[sflag:s15] =	ssyncset.done $0x0  }
0x16d: {  	[sflag:s15] =	ssyncadd.s32 $0xFFFFFC00  }
0x16e: {  	[spmem:s3] =	stream.indirect.scatter.add.f32 [tilespmem:s14], [sflag:$0x3], $0x80, s17, s18, $0xb8;
	[tilespmem:$0x1C800] =	vst v63  }
0x16f: {  	_ =	swait.ge [sflag:s15], $0x4000  }
0x170: {  	[sflag:s15] =	ssyncset.done $0x0  }
0x171: {  	[sflag:s15] =	ssyncadd.s32 $0xFFFFC000  }
0x172: {  	[spmem:s3] =	stream.indirect.scatter.add.f32 [tilespmem:s14], [sflag:$0x3], $0x80, s24, s18, $0xb8;
	[tilespmem:$0x1C800] =	vst v63  }
0x173: {  	_ =	swait.ge [sflag:s15], $0x4000  }
0x174: {  	[sflag:s15] =	ssyncset.done $0x0  }
0x175: {  	[sflag:s15] =	ssyncadd.s32 $0xFFFFC000  }
0x176: {  	[spmem:s3] =	stream.indirect.scatter.add.f32 [tilespmem:s14], [sflag:$0x3], $0x80, s26, s18, $0xb8;
	[tilespmem:$0x1C800] =	vst v63  }
0x177: {  	_ =	swait.ge [sflag:s15], $0x4000  }
0x178: {  	[sflag:s15] =	ssyncset.done $0x0  }
0x179: {  	[sflag:s15] =	ssyncadd.s32 $0xFFFFC000  }
0x17a: {  	[spmem:s3] =	stream.indirect.scatter.add.f32 [tilespmem:s14], [sflag:$0x3], $0x80, s29, s18, $0xb8;
	[tilespmem:$0x1C800] =	vst v63  }
0x17b: {  	_ =	swait.ge [sflag:s15], $0x4000  }
0x17c: {  	[sflag:s15] =	ssyncset.done $0x0  }
0x17d: {  	[sflag:s15] =	ssyncadd.s32 $0xFFFFC000  }
0x17e: {  	[spmem:s3] =	stream.indirect.scatter.add.f32 [tilespmem:s14], [sflag:$0x3], $0x80, s31, s18, $0xb8;
	[tilespmem:$0x1C800] =	vst v63  }
0x17f: {  	_ =	swait.ge [sflag:s15], $0x4000  }
0x180: {  	[sflag:s15] =	ssyncset.done $0x0  }
0x181: {  	[sflag:s15] =	ssyncadd.s32 $0xFFFFC000  }
0x182: {  	[spmem:s3] =	stream.indirect.scatter.add.f32 [tilespmem:s14], [sflag:$0x3], $0x80, s2, s18, $0xb8;
	[tilespmem:$0x1C800] =	vst v63  }
0x183: {  	_ =	swait.ge [sflag:s15], $0x4000  }
0x184: {  	[sflag:s15] =	ssyncset.done $0x0  }
0x185: {  	[sflag:s15] =	ssyncadd.s32 $0xFFFFC000  }
0x186: {  	[spmem:s3] =	stream.indirect.scatter.add.f32 [tilespmem:s14], [sflag:$0x3], $0x80, s11, s18, $0xb8;
	[tilespmem:$0x1C800] =	vst v63  }
0x187: {  	_ =	swait.ge [sflag:s15], $0x4000  }
0x188: {  	[sflag:s15] =	ssyncset.done $0x0  }
0x189: {  	[sflag:s15] =	ssyncadd.s32 $0xFFFFC000  }
0x18a: {  	[spmem:s3] =	stream.indirect.scatter.add.f32 [tilespmem:s14], [sflag:$0x3], $0x80, s12, s18, $0xb8;
	[tilespmem:$0x1C800] =	vst v63  }
0x18b: {  	_ =	swait.ge [sflag:s15], $0x4000  }
0x18c: {  	[sflag:s15] =	ssyncset.done $0x0  }
0x18d: {  	[sflag:s15] =	ssyncadd.s32 $0xFFFFC000  }
0x18e: {  	[bflag:$0x0] =	sbarrier.arrive $0xFFFF  }
0x18f: {  	s9 =	rddreg [dreg:$0xb]  }
0x190: {  	s7 =	rddreg [dreg:$0xd]  }
0x191: {  	s8 =	rddreg [dreg:$0xe]  }
0x192: {  	[hbm:s9], [sflag:s7] =	dma.local [spmem:s8], $0x2800  }
0x193: {  	_ =	swait.ge [sflag:s15], $0x2800  }
0x194: {  	s6 =	sadd.s32 $0x1, s6;
	s9 =	rddreg [dreg:$0xc]  }
0x195: {  	p0 =	sne.s32 s6, s9  }
.Ltmp6:
0x196: {  	_ = 	snop;
	(pc) =	sbr.rel @p0 .LBB2_1-.Ltmp6, $3  }
0x197: {  	_ =	sdelay $0x1  }
0x198: {  	[sflag:s15] =	ssyncset.done $0x0  }
0x199: {  	[sflag:s15] =	ssyncadd.s32 $0xFFFFD800  }
0x19a: {  	_ =	sfence.sel $0x180000  }
0x19b: {  	[bflag:$0x0] =	sbarrier.arrive $0xFFFF  }
0x19c: {  	_ =	strace $0x90000047  }
0x19d: {  	s0 =	stileid.u32;
	[bflag:$0x2] =	sbarrier.arrive $0xFFFF  }
0x19e: {  	p0 =	sne.s32 s0, $0x0;
	s0 =	rddreg [dreg:$0x3]  }
0x19f: {  	s0 =	sadd.s32 @!p0 $0x100000, s0  }
0x1a0: {  	[sflag:s0] =	ssyncadd.tile.s32 @!p0 $0x1;
	_ =	shalt  }
.Lfunc_end2:
_tile_overlayer_lowered:
.L_overlay_start_2:
0x1a1: {  	(tag) =	ssettag $0x2  }
0x1a2: {  	s0 =	rddreg [dreg:$0x0];
	s2 =	stileid.u32  }
0x1a3: {  	s1 =	rddreg [dreg:$0x1];
	p0 =	sne.s32 s2, $0x0  }
0x1a4: {  	s3 =	rddreg [dreg:$0x2];
	[bflag:$0x3] =	sbarrier.arrive $0xFFFF;
	s2 =	simm.s32 @!p0 $0x1C03  }
0x1a5: {  	[timem:s3], [sflag:s2] =	dma.local @!p0 [hbm:s0], s1  }
0x1a6: {  	s0 =	simm.s32 @!p0 $0x3  }
0x1a7: {  	_ =	swait.ge @!p0 [sflag:s0], s1  }
0x1a8: {  	s1 =	ssub.s32 @!p0 $0x0, s1;
	[sflag:s0] =	ssyncset.done @!p0 $0x0  }
0x1a9: {  	[sflag:s0] =	ssyncadd.s32 @!p0 s1  }
0x1aa: {  	[bflag:$0x3] =	sbarrier.arrive $0xFFFF  }
0x1ab: {  	_ =	shalt  }

</sc_bundles>
